<compile_context>
chip_gen: v7x
topology: tpu7x:2x2x1
jax: 0.10.2.dev20260603
libtpu: 0.0.44.dev20260713+nightly
codegen_flags: <defaults>
</compile_context>

<pallas_src>
import jax
import jax.numpy as jnp
from jax import lax
from jax.experimental import pallas as pl
from jax.experimental.pallas import tpu as pltpu
from jax.experimental.pallas import tpu_sc as plsc

N = 10000
D = 128
DH = D // 2
E = 320000
NC = 2
NS = 16
K = 128
NB = 158
EPT = NB * K
E_PAD = EPT * NS
RPT = 640
N_PAD = RPT * NS
ZR = 160
DEGW = 16

_mesh = plsc.VectorSubcoreMesh(core_axis_name="c", subcore_axis_name="s")


def _seg_deg_body(src_hbm, dst_hbm, y_hbm, agg_hbm, deg_hbm,
                  src_v, dst_v, bufs, zbuf, gsems, agg_sh,
                  ones_v, zdeg, deg_sh):
  c = lax.axis_index("c")
  s = lax.axis_index("s")
  wid = c * NS + s
  r0 = s * RPT

  @pl.loop(0, ZR)
  def _(r):
    for j in range(DH // 16):
      zbuf[r, pl.ds(j * 16, 16)] = jnp.zeros((16,), jnp.float32)

  @pl.loop(0, 4)
  def _(i):
    pltpu.sync_copy(zbuf, agg_sh.at[pl.ds(r0 + i * ZR, ZR)])

  @pl.loop(0, ZR)
  def _(r):
    zdeg[r, :] = jnp.zeros((DEGW,), jnp.float32)

  @pl.loop(0, K)
  def _(r):
    ones_v[r, :] = jnp.ones((DEGW,), jnp.float32)

  @pl.loop(0, 4)
  def _(i):
    pltpu.sync_copy(zdeg, deg_sh.at[pl.ds(r0 + i * ZR, ZR)])

  pltpu.sync_copy(src_hbm.at[wid], src_v)
  pltpu.sync_copy(dst_hbm.at[s], dst_v)

  plsc.subcore_barrier()

  pltpu.async_copy(y_hbm.at[src_v.at[0]], bufs[0], gsems[0])

  @pl.loop(0, NB, step=2)
  def _(b):
    pltpu.async_copy(y_hbm.at[src_v.at[b + 1]], bufs[1], gsems[1])
    pltpu.make_async_copy(y_hbm.at[src_v.at[b]], bufs[0], gsems[0]).wait()
    pltpu.sync_copy(bufs[0], agg_sh.at[dst_v.at[b]], add=True)
    pltpu.sync_copy(ones_v, deg_sh.at[dst_v.at[b]], add=True)
    bn = jnp.minimum(b + 2, NB - 1)
    pltpu.async_copy(y_hbm.at[src_v.at[bn]], bufs[0], gsems[0])
    pltpu.make_async_copy(y_hbm.at[src_v.at[b + 1]], bufs[1],
                          gsems[1]).wait()
    pltpu.sync_copy(bufs[1], agg_sh.at[dst_v.at[b + 1]], add=True)
    pltpu.sync_copy(ones_v, deg_sh.at[dst_v.at[b + 1]], add=True)

  pltpu.make_async_copy(y_hbm.at[src_v.at[NB - 1]], bufs[0], gsems[0]).wait()

  plsc.subcore_barrier()

  pltpu.sync_copy(agg_sh.at[pl.ds(r0, RPT)],
                  agg_hbm.at[c].at[pl.ds(r0, RPT)])
  pltpu.sync_copy(deg_sh.at[pl.ds(r0, RPT)],
                  deg_hbm.at[c].at[pl.ds(r0, RPT)])


_seg_deg = pl.kernel(
    _seg_deg_body,
    out_type=(
        jax.ShapeDtypeStruct((NC, N_PAD, DH), jnp.float32),
        jax.ShapeDtypeStruct((NC, N_PAD, DEGW), jnp.float32),
    ),
    mesh=_mesh,
    scratch_types=[
        pltpu.VMEM((NB, K), jnp.int32),
        pltpu.VMEM((NB, K), jnp.int32),
        [pltpu.VMEM((K, DH), jnp.float32)] * 2,
        pltpu.VMEM((ZR, DH), jnp.float32),
        [pltpu.SemaphoreType.DMA] * 2,
        pltpu.VMEM_SHARED((N_PAD, DH), jnp.float32),
        pltpu.VMEM((K, DEGW), jnp.float32),
        pltpu.VMEM((ZR, DEGW), jnp.float32),
        pltpu.VMEM_SHARED((N_PAD, DEGW), jnp.float32),
    ],
    compiler_params=pltpu.CompilerParams(use_tc_tiling_on_sc=False),
)


def _seg_body(src_hbm, dst_hbm, y_hbm, agg_hbm,
              src_v, dst_v, bufs, zbuf, gsems, agg_sh):
  c = lax.axis_index("c")
  s = lax.axis_index("s")
  wid = c * NS + s
  r0 = s * RPT

  @pl.loop(0, ZR)
  def _(r):
    for j in range(DH // 16):
      zbuf[r, pl.ds(j * 16, 16)] = jnp.zeros((16,), jnp.float32)

  @pl.loop(0, 4)
  def _(i):
    pltpu.sync_copy(zbuf, agg_sh.at[pl.ds(r0 + i * ZR, ZR)])

  pltpu.sync_copy(src_hbm.at[wid], src_v)
  pltpu.sync_copy(dst_hbm.at[s], dst_v)

  plsc.subcore_barrier()

  pltpu.async_copy(y_hbm.at[src_v.at[0]], bufs[0], gsems[0])

  @pl.loop(0, NB, step=2)
  def _(b):
    pltpu.async_copy(y_hbm.at[src_v.at[b + 1]], bufs[1], gsems[1])
    pltpu.make_async_copy(y_hbm.at[src_v.at[b]], bufs[0], gsems[0]).wait()
    pltpu.sync_copy(bufs[0], agg_sh.at[dst_v.at[b]], add=True)
    bn = jnp.minimum(b + 2, NB - 1)
    pltpu.async_copy(y_hbm.at[src_v.at[bn]], bufs[0], gsems[0])
    pltpu.make_async_copy(y_hbm.at[src_v.at[b + 1]], bufs[1],
                          gsems[1]).wait()
    pltpu.sync_copy(bufs[1], agg_sh.at[dst_v.at[b + 1]], add=True)

  pltpu.make_async_copy(y_hbm.at[src_v.at[NB - 1]], bufs[0], gsems[0]).wait()

  plsc.subcore_barrier()

  pltpu.sync_copy(agg_sh.at[pl.ds(r0, RPT)],
                  agg_hbm.at[c].at[pl.ds(r0, RPT)])


_seg = pl.kernel(
    _seg_body,
    out_type=jax.ShapeDtypeStruct((NC, N_PAD, DH), jnp.float32),
    mesh=_mesh,
    scratch_types=[
        pltpu.VMEM((NB, K), jnp.int32),
        pltpu.VMEM((NB, K), jnp.int32),
        [pltpu.VMEM((K, DH), jnp.float32)] * 2,
        pltpu.VMEM((ZR, DH), jnp.float32),
        [pltpu.SemaphoreType.DMA] * 2,
        pltpu.VMEM_SHARED((N_PAD, DH), jnp.float32),
    ],
    compiler_params=pltpu.CompilerParams(use_tc_tiling_on_sc=False),
)



RB = 1000


def _mm2_body(x_ref, ws_ref, wn_ref, self_ref, y_ref):
  xb = x_ref[...]
  self_ref[...] = jnp.dot(xb, ws_ref[...], preferred_element_type=jnp.float32)
  y = jnp.dot(xb, wn_ref[...], preferred_element_type=jnp.float32)
  y_ref[0] = y[:, :DH]
  y_ref[1] = y[:, DH:]


_mm2 = pl.pallas_call(
    _mm2_body,
    grid=(N // RB,),
    in_specs=[
        pl.BlockSpec((RB, D), lambda i: (i, 0)),
        pl.BlockSpec((D, D), lambda i: (0, 0)),
        pl.BlockSpec((D, D), lambda i: (0, 0)),
    ],
    out_specs=[
        pl.BlockSpec((RB, D), lambda i: (i, 0)),
        pl.BlockSpec((2, RB, DH), lambda i: (0, i, 0)),
    ],
    out_shape=[
        jax.ShapeDtypeStruct((N, D), jnp.float32),
        jax.ShapeDtypeStruct((2, N, DH), jnp.float32),
    ],
)


def _combine_mm_body(s1_ref, a0_ref, a1_ref, d0_ref, b_ref,
                     ws_ref, wn_ref, self2_ref, y2_ref):
  deg = jnp.maximum(d0_ref[:, :1], 1.0)
  agg = jnp.concatenate([a0_ref[...], a1_ref[...]], axis=1)
  h = jnp.maximum(s1_ref[...] + b_ref[...] + agg / deg, 0.0)
  self2_ref[...] = jnp.dot(h, ws_ref[...], preferred_element_type=jnp.float32)
  y2 = jnp.dot(h, wn_ref[...], preferred_element_type=jnp.float32)
  y2_ref[0] = y2[:, :DH]
  y2_ref[1] = y2[:, DH:]


_combine_mm = pl.pallas_call(
    _combine_mm_body,
    grid=(N // RB,),
    in_specs=[
        pl.BlockSpec((RB, D), lambda i: (i, 0)),
        pl.BlockSpec((RB, DH), lambda i: (i, 0)),
        pl.BlockSpec((RB, DH), lambda i: (i, 0)),
        pl.BlockSpec((RB, DEGW), lambda i: (i, 0)),
        pl.BlockSpec((1, D), lambda i: (0, 0)),
        pl.BlockSpec((D, D), lambda i: (0, 0)),
        pl.BlockSpec((D, D), lambda i: (0, 0)),
    ],
    out_specs=[
        pl.BlockSpec((RB, D), lambda i: (i, 0)),
        pl.BlockSpec((2, RB, DH), lambda i: (0, i, 0)),
    ],
    out_shape=[
        jax.ShapeDtypeStruct((N, D), jnp.float32),
        jax.ShapeDtypeStruct((2, N, DH), jnp.float32),
    ],
)


def _final_body(s2_ref, a0_ref, a1_ref, d0_ref, b_ref, out_ref):
  deg = jnp.maximum(d0_ref[:, :1], 1.0)
  agg = jnp.concatenate([a0_ref[...], a1_ref[...]], axis=1)
  out_ref[...] = s2_ref[...] + b_ref[...] + agg / deg


_final = pl.pallas_call(
    _final_body,
    grid=(N // RB,),
    in_specs=[
        pl.BlockSpec((RB, D), lambda i: (i, 0)),
        pl.BlockSpec((RB, DH), lambda i: (i, 0)),
        pl.BlockSpec((RB, DH), lambda i: (i, 0)),
        pl.BlockSpec((RB, DEGW), lambda i: (i, 0)),
        pl.BlockSpec((1, D), lambda i: (0, 0)),
    ],
    out_specs=pl.BlockSpec((RB, D), lambda i: (i, 0)),
    out_shape=jax.ShapeDtypeStruct((N, D), jnp.float32),
)


@jax.jit
def kernel(edge_index, in_feat, W_self1, W_neigh1, b1, W_self2, W_neigh2, b2):
  src = edge_index[0]
  dst = edge_index[1]
  pad = E_PAD - E
  src_t = jnp.concatenate(
      [src, jnp.zeros((pad,), jnp.int32)]).reshape(NS, NB, K)
  src_r = jnp.concatenate([src_t, src_t + N], axis=0)
  pad_dst = N + jnp.arange(pad, dtype=jnp.int32) % (N_PAD - N)
  dst_r = jnp.concatenate([dst, pad_dst]).reshape(NS, NB, K)

  self1, y1 = _mm2(in_feat, W_self1, W_neigh1)
  agg1, deg = _seg_deg(src_r, dst_r, y1.reshape(2 * N, DH))
  self2, y2 = _combine_mm(self1, agg1[0], agg1[1], deg[0],
                          b1.reshape(1, D), W_self2, W_neigh2)
  agg2 = _seg(src_r, dst_r, y2.reshape(2 * N, DH))
  out = _final(self2, agg2[0], agg2[1], deg[0], b2.reshape(1, D))
  return out

# --- scband reference (transcript-rebuilt; emitter-appended) ---
"""Pipeline reference for scband-two-layer-graph-sage-35390530519865 (READ-ONLY COPY).

The authoritative reference and input builder live on the scoring server;
editing this copy changes nothing except your own understanding.
"""

import jax, jax.numpy as jnp
import numpy as np

N = 10000
E = 320000
D_IN = 128
D_H1 = 128
D_H2 = 128


def setup_inputs(seed: int = 0) -> dict:
    key = jax.random.key(seed)
    ks = jax.random.split(key, 9)
    edge_index = jax.random.randint(ks[0], (2, E), 0, N, dtype=jnp.int32)
    in_feat = jax.random.normal(ks[1], (N, D_IN), dtype=jnp.float32)
    scale = 0.05
    W_self1 = jax.random.normal(ks[2], (D_IN, D_H1), dtype=jnp.float32) * scale
    W_neigh1 = jax.random.normal(ks[3], (D_IN, D_H1), dtype=jnp.float32) * scale
    b1 = jnp.zeros((D_H1,), dtype=jnp.float32)
    W_self2 = jax.random.normal(ks[4], (D_H1, D_H2), dtype=jnp.float32) * scale
    W_neigh2 = jax.random.normal(ks[5], (D_H1, D_H2), dtype=jnp.float32) * scale
    b2 = jnp.zeros((D_H2,), dtype=jnp.float32)
    return {
        "edge_index": edge_index,
        "in_feat": in_feat,
        "W_self1": W_self1,
        "W_neigh1": W_neigh1,
        "b1": b1,
        "W_self2": W_self2,
        "W_neigh2": W_neigh2,
        "b2": b2,
    }


def _sage_mean_layer(x, edge_index, W_self, W_neigh, b):
    # DGL SAGEConv with 'mean' aggregator:
    #   h_neigh = mean over in-neighbors of x[src]
    #   out = x @ W_self + h_neigh @ W_neigh + b
    src = edge_index[0]
    dst = edge_index[1]
    msgs = jnp.take(x, src, axis=0)                      # gather  [E, d]
    agg = jax.ops.segment_sum(msgs, dst, num_segments=N)  # scatter-add [N, d]
    deg = jax.ops.segment_sum(jnp.ones((msgs.shape[0],), dtype=x.dtype), dst, num_segments=N)
    h_neigh = agg / jnp.clip(deg, 1.0, None)[:, None]
    return x @ W_self + h_neigh @ W_neigh + b


def reference(edge_index, in_feat, W_self1, W_neigh1, b1, W_self2, W_neigh2, b2):
    h = _sage_mean_layer(in_feat, edge_index, W_self1, W_neigh1, b1)
    h = jax.nn.relu(h)
    h = _sage_mean_layer(h, edge_index, W_self2, W_neigh2, b2)
    return h

if __name__ == "__main__":
    import jax
    _d = setup_inputs()
    print(jax.jit(kernel)(*tuple(_d.values())))

</pallas_src>

<mosaic_0001>
#map = affine_map<(d0, d1) -> (0, 0, 0)>
#map1 = affine_map<(d0, d1) -> (0, 0)>
module attributes {stable_mosaic.version = 14 : i64} {
  func.func @_seg_deg_body(%arg0: i32, %arg1: i32, %arg2: memref<32x158x128xi32, #tpu.memory_space<hbm>>, %arg3: memref<16x158x128xi32, #tpu.memory_space<hbm>>, %arg4: memref<20000x64xf32, #tpu.memory_space<hbm>>, %arg5: memref<2x10240x64xf32, #tpu.memory_space<hbm>>, %arg6: memref<2x10240x16xf32, #tpu.memory_space<hbm>>, %arg7: memref<158x128xi32, #tpu.memory_space<vmem>>, %arg8: memref<158x128xi32, #tpu.memory_space<vmem>>, %arg9: memref<128x64xf32, #tpu.memory_space<vmem>>, %arg10: memref<128x64xf32, #tpu.memory_space<vmem>>, %arg11: memref<160x64xf32, #tpu.memory_space<vmem>>, %arg12: memref<!tpu.dma_semaphore, #tpu.memory_space<semaphore_mem>>, %arg13: memref<!tpu.dma_semaphore, #tpu.memory_space<semaphore_mem>>, %arg14: memref<10240x64xf32, #tpu.memory_space<vmem_shared>>, %arg15: memref<128x16xf32, #tpu.memory_space<vmem>>, %arg16: memref<160x16xf32, #tpu.memory_space<vmem>>, %arg17: memref<10240x16xf32, #tpu.memory_space<vmem_shared>>) attributes {dimension_semantics = [#tpu.dimension_semantics<core_parallel>, #tpu.dimension_semantics<subcore_parallel>], iteration_bounds = array<i64: 2, 16>, scalar_prefetch = 0 : i64, scratch_operands = 11 : i64, tpu.core_type = #tpu.core_type<sc_vector_subcore>, window_params = [{transform_indices = #map}, {transform_indices = #map}, {transform_indices = #map1}, {transform_indices = #map}, {transform_indices = #map}]} {
    %mul3A = arith.constant 16 : i32
    %mul3A_0 = arith.muli %arg0, %mul3A : i32
    %add3A = arith.addi %mul3A_0, %arg1 : i32
    %mul3A_1 = arith.constant 640 : i32
    %mul3A_2 = arith.muli %arg1, %mul3A_1 : i32
    %scan3A = arith.constant 0 : i32
    %scan3A_3 = arith.constant 160 : i32
    %scan3A_4 = arith.addi %scan3A, %scan3A_3 : i32
    %scan3A_5 = arith.constant 1 : i32
    scf.for %scan3A_45 = %scan3A to %scan3A_4 step %scan3A_5  : i32 {
      %mul3A_46 = arith.constant 1 : i32
      %mul3A_47 = arith.muli %scan3A_45, %mul3A_46 : i32
      %add3A_48 = arith.constant 0 : i32
      %add3A_49 = arith.addi %add3A_48, %mul3A_47 : i32
      %broadcast_in_dim3A = arith.constant 0.000000e+00 : f32
      %broadcast_in_dim3A_50 = vector.broadcast %broadcast_in_dim3A : f32 to vector<16xf32>
      %swap3A = arith.index_cast %add3A_49 : i32 to index
      %swap3A_51 = arith.constant 0 : index
      %swap3A_52 = tpu.vector_load %arg11[%swap3A, %swap3A_51] {strides = array<i32>} : memref<160x64xf32, #tpu.memory_space<vmem>>, vector<1x16xf32>,
      %swap3A_53 = vector.shape_cast %swap3A_52 : vector<1x16xf32> to vector<16xf32>
      %swap3A_54 = vector.shape_cast %broadcast_in_dim3A_50 : vector<16xf32> to vector<1x16xf32>
      tpu.vector_store %arg11[%swap3A, %swap3A_51], %swap3A_54 {strides = array<i32>} : memref<160x64xf32, #tpu.memory_space<vmem>>, vector<1x16xf32>,
      %broadcast_in_dim3A_55 = arith.constant 0.000000e+00 : f32
      %broadcast_in_dim3A_56 = vector.broadcast %broadcast_in_dim3A_55 : f32 to vector<16xf32>
      %swap3A_57 = arith.index_cast %add3A_49 : i32 to index
      %swap3A_58 = arith.constant 16 : index
      %swap3A_59 = tpu.vector_load %arg11[%swap3A_57, %swap3A_58] {strides = array<i32>} : memref<160x64xf32, #tpu.memory_space<vmem>>, vector<1x16xf32>,
      %swap3A_60 = vector.shape_cast %swap3A_59 : vector<1x16xf32> to vector<16xf32>
      %swap3A_61 = vector.shape_cast %broadcast_in_dim3A_56 : vector<16xf32> to vector<1x16xf32>
      tpu.vector_store %arg11[%swap3A_57, %swap3A_58], %swap3A_61 {strides = array<i32>} : memref<160x64xf32, #tpu.memory_space<vmem>>, vector<1x16xf32>,
      %broadcast_in_dim3A_62 = arith.constant 0.000000e+00 : f32
      %broadcast_in_dim3A_63 = vector.broadcast %broadcast_in_dim3A_62 : f32 to vector<16xf32>
      %swap3A_64 = arith.index_cast %add3A_49 : i32 to index
      %swap3A_65 = arith.constant 32 : index
      %swap3A_66 = tpu.vector_load %arg11[%swap3A_64, %swap3A_65] {strides = array<i32>} : memref<160x64xf32, #tpu.memory_space<vmem>>, vector<1x16xf32>,
      %swap3A_67 = vector.shape_cast %swap3A_66 : vector<1x16xf32> to vector<16xf32>
      %swap3A_68 = vector.shape_cast %broadcast_in_dim3A_63 : vector<16xf32> to vector<1x16xf32>
      tpu.vector_store %arg11[%swap3A_64, %swap3A_65], %swap3A_68 {strides = array<i32>} : memref<160x64xf32, #tpu.memory_space<vmem>>, vector<1x16xf32>,
      %broadcast_in_dim3A_69 = arith.constant 0.000000e+00 : f32
      %broadcast_in_dim3A_70 = vector.broadcast %broadcast_in_dim3A_69 : f32 to vector<16xf32>
      %swap3A_71 = arith.index_cast %add3A_49 : i32 to index
      %swap3A_72 = arith.constant 48 : index
      %swap3A_73 = tpu.vector_load %arg11[%swap3A_71, %swap3A_72] {strides = array<i32>} : memref<160x64xf32, #tpu.memory_space<vmem>>, vector<1x16xf32>,
      %swap3A_74 = vector.shape_cast %swap3A_73 : vector<1x16xf32> to vector<16xf32>
      %swap3A_75 = vector.shape_cast %broadcast_in_dim3A_70 : vector<16xf32> to vector<1x16xf32>
      tpu.vector_store %arg11[%swap3A_71, %swap3A_72], %swap3A_75 {strides = array<i32>} : memref<160x64xf32, #tpu.memory_space<vmem>>, vector<1x16xf32>,
    }
    %scan3A_6 = arith.constant 160 : i32
    %scan3A_7 = arith.constant 0 : i32
    %scan3A_8 = arith.constant 4 : i32
    %scan3A_9 = arith.addi %scan3A_7, %scan3A_8 : i32
    %scan3A_10 = arith.constant 1 : i32
    scf.for %scan3A_45 = %scan3A_7 to %scan3A_9 step %scan3A_10  : i32 {
      %mul3A_46 = arith.constant 1 : i32
      %mul3A_47 = arith.muli %scan3A_45, %mul3A_46 : i32
      %add3A_48 = arith.constant 0 : i32
      %add3A_49 = arith.addi %add3A_48, %mul3A_47 : i32
      %mul3A_50 = arith.constant 160 : i32
      %mul3A_51 = arith.muli %add3A_49, %mul3A_50 : i32
      %add3A_52 = arith.addi %mul3A_2, %mul3A_51 : i32
      "tpu.region"() ({
        %run_scoped3A = tpu.sem_alloc : memref<!tpu.dma_semaphore, #tpu.memory_space<semaphore_mem>>
        %dma_start3A_53 = arith.constant 0 : i32
        %dma_start3A_54 = tpu.memref_slice %arg14[%add3A_52, %dma_start3A_53] : memref<10240x64xf32, #tpu.memory_space<vmem_shared>> -> memref<160x64xf32, #tpu.memory_space<vmem_shared>>
        %dma_start3A_55 = arith.constant 0 : i32
        %dma_start3A_56 = tpu.memref_slice %arg14[%add3A_52, %dma_start3A_55] : memref<10240x64xf32, #tpu.memory_space<vmem_shared>> -> memref<160x64xf32, #tpu.memory_space<vmem_shared>>
        tpu.enqueue_dma source(%arg11 : memref<160x64xf32, #tpu.memory_space<vmem>>) target(%dma_start3A_56 : memref<160x64xf32, #tpu.memory_space<vmem_shared>>) target_semaphore(%run_scoped3A : memref<!tpu.dma_semaphore, #tpu.memory_space<semaphore_mem>>)
        %dma_wait3A_57 = arith.constant 0 : i32
        %dma_wait3A_58 = tpu.memref_slice %arg14[%add3A_52, %dma_wait3A_57] : memref<10240x64xf32, #tpu.memory_space<vmem_shared>> -> memref<160x64xf32, #tpu.memory_space<vmem_shared>>
        %dma_wait3A_59 = arith.constant 0 : i32
        %dma_wait3A_60 = tpu.memref_slice %arg14[%add3A_52, %dma_wait3A_59] : memref<10240x64xf32, #tpu.memory_space<vmem_shared>> -> memref<160x64xf32, #tpu.memory_space<vmem_shared>>
        tpu.wait_dma2 semaphore(%run_scoped3A : memref<!tpu.dma_semaphore, #tpu.memory_space<semaphore_mem>>) src(%arg11 : memref<160x64xf32, #tpu.memory_space<vmem>>) dst(%dma_wait3A_60 : memref<160x64xf32, #tpu.memory_space<vmem_shared>>)
        tpu.yield
      }) : () -> ()
    }
    %scan3A_11 = arith.constant 4 : i32
    %scan3A_12 = arith.constant 0 : i32
    %scan3A_13 = arith.constant 160 : i32
    %scan3A_14 = arith.addi %scan3A_12, %scan3A_13 : i32
    %scan3A_15 = arith.constant 1 : i32
    scf.for %scan3A_45 = %scan3A_12 to %scan3A_14 step %scan3A_15  : i32 {
      %mul3A_46 = arith.constant 1 : i32
      %mul3A_47 = arith.muli %scan3A_45, %mul3A_46 : i32
      %add3A_48 = arith.constant 0 : i32
      %add3A_49 = arith.addi %add3A_48, %mul3A_47 : i32
      %broadcast_in_dim3A = arith.constant 0.000000e+00 : f32
      %broadcast_in_dim3A_50 = vector.broadcast %broadcast_in_dim3A : f32 to vector<16xf32>
      %swap3A = arith.index_cast %add3A_49 : i32 to index
      %swap3A_51 = arith.constant 0 : index
      %swap3A_52 = tpu.vector_load %arg16[%swap3A, %swap3A_51] {strides = array<i32>} : memref<160x16xf32, #tpu.memory_space<vmem>>, vector<1x16xf32>,
      %swap3A_53 = vector.shape_cast %swap3A_52 : vector<1x16xf32> to vector<16xf32>
      %swap3A_54 = vector.shape_cast %broadcast_in_dim3A_50 : vector<16xf32> to vector<1x16xf32>
      tpu.vector_store %arg16[%swap3A, %swap3A_51], %swap3A_54 {strides = array<i32>} : memref<160x16xf32, #tpu.memory_space<vmem>>, vector<1x16xf32>,
    }
    %scan3A_16 = arith.constant 160 : i32
    %scan3A_17 = arith.constant 0 : i32
    %scan3A_18 = arith.constant 128 : i32
    %scan3A_19 = arith.addi %scan3A_17, %scan3A_18 : i32
    %scan3A_20 = arith.constant 1 : i32
    scf.for %scan3A_45 = %scan3A_17 to %scan3A_19 step %scan3A_20  : i32 {
      %mul3A_46 = arith.constant 1 : i32
      %mul3A_47 = arith.muli %scan3A_45, %mul3A_46 : i32
      %add3A_48 = arith.constant 0 : i32
      %add3A_49 = arith.addi %add3A_48, %mul3A_47 : i32
      %broadcast_in_dim3A = arith.constant 1.000000e+00 : f32
      %broadcast_in_dim3A_50 = vector.broadcast %broadcast_in_dim3A : f32 to vector<16xf32>
      %swap3A = arith.index_cast %add3A_49 : i32 to index
      %swap3A_51 = arith.constant 0 : index
      %swap3A_52 = tpu.vector_load %arg15[%swap3A, %swap3A_51] {strides = array<i32>} : memref<128x16xf32, #tpu.memory_space<vmem>>, vector<1x16xf32>,
      %swap3A_53 = vector.shape_cast %swap3A_52 : vector<1x16xf32> to vector<16xf32>
      %swap3A_54 = vector.shape_cast %broadcast_in_dim3A_50 : vector<16xf32> to vector<1x16xf32>
      tpu.vector_store %arg15[%swap3A, %swap3A_51], %swap3A_54 {strides = array<i32>} : memref<128x16xf32, #tpu.memory_space<vmem>>, vector<1x16xf32>,
    }
    %scan3A_21 = arith.constant 128 : i32
    %scan3A_22 = arith.constant 0 : i32
    %scan3A_23 = arith.constant 4 : i32
    %scan3A_24 = arith.addi %scan3A_22, %scan3A_23 : i32
    %scan3A_25 = arith.constant 1 : i32
    scf.for %scan3A_45 = %scan3A_22 to %scan3A_24 step %scan3A_25  : i32 {
      %mul3A_46 = arith.constant 1 : i32
      %mul3A_47 = arith.muli %scan3A_45, %mul3A_46 : i32
      %add3A_48 = arith.constant 0 : i32
      %add3A_49 = arith.addi %add3A_48, %mul3A_47 : i32
      %mul3A_50 = arith.constant 160 : i32
      %mul3A_51 = arith.muli %add3A_49, %mul3A_50 : i32
      %add3A_52 = arith.addi %mul3A_2, %mul3A_51 : i32
      "tpu.region"() ({
        %run_scoped3A = tpu.sem_alloc : memref<!tpu.dma_semaphore, #tpu.memory_space<semaphore_mem>>
        %dma_start3A_53 = arith.constant 0 : i32
        %dma_start3A_54 = tpu.memref_slice %arg17[%add3A_52, %dma_start3A_53] : memref<10240x16xf32, #tpu.memory_space<vmem_shared>> -> memref<160x16xf32, #tpu.memory_space<vmem_shared>>
        %dma_start3A_55 = arith.constant 0 : i32
        %dma_start3A_56 = tpu.memref_slice %arg17[%add3A_52, %dma_start3A_55] : memref<10240x16xf32, #tpu.memory_space<vmem_shared>> -> memref<160x16xf32, #tpu.memory_space<vmem_shared>>
        tpu.enqueue_dma source(%arg16 : memref<160x16xf32, #tpu.memory_space<vmem>>) target(%dma_start3A_56 : memref<160x16xf32, #tpu.memory_space<vmem_shared>>) target_semaphore(%run_scoped3A : memref<!tpu.dma_semaphore, #tpu.memory_space<semaphore_mem>>)
        %dma_wait3A_57 = arith.constant 0 : i32
        %dma_wait3A_58 = tpu.memref_slice %arg17[%add3A_52, %dma_wait3A_57] : memref<10240x16xf32, #tpu.memory_space<vmem_shared>> -> memref<160x16xf32, #tpu.memory_space<vmem_shared>>
        %dma_wait3A_59 = arith.constant 0 : i32
        %dma_wait3A_60 = tpu.memref_slice %arg17[%add3A_52, %dma_wait3A_59] : memref<10240x16xf32, #tpu.memory_space<vmem_shared>> -> memref<160x16xf32, #tpu.memory_space<vmem_shared>>
        tpu.wait_dma2 semaphore(%run_scoped3A : memref<!tpu.dma_semaphore, #tpu.memory_space<semaphore_mem>>) src(%arg16 : memref<160x16xf32, #tpu.memory_space<vmem>>) dst(%dma_wait3A_60 : memref<160x16xf32, #tpu.memory_space<vmem_shared>>)
        tpu.yield
      }) : () -> ()
    }
    %scan3A_26 = arith.constant 4 : i32
    "tpu.region"() ({
      %run_scoped3A = tpu.sem_alloc : memref<!tpu.dma_semaphore, #tpu.memory_space<semaphore_mem>>
      %dma_start3A_45 = arith.constant 0 : i32
      %dma_start3A_46 = arith.constant 0 : i32
      %dma_start3A_47 = tpu.memref_slice %arg2[%add3A, %dma_start3A_45, %dma_start3A_46] : memref<32x158x128xi32, #tpu.memory_space<hbm>> -> memref<1x158x128xi32, #tpu.memory_space<hbm>>
      %dma_start3A_48 = tpu.memref_squeeze %dma_start3A_47 : memref<1x158x128xi32, #tpu.memory_space<hbm>> -> memref<158x128xi32, #tpu.memory_space<hbm>>
      %dma_start3A_49 = arith.constant 0 : i32
      %dma_start3A_50 = arith.constant 0 : i32
      %dma_start3A_51 = tpu.memref_slice %arg2[%add3A, %dma_start3A_49, %dma_start3A_50] : memref<32x158x128xi32, #tpu.memory_space<hbm>> -> memref<1x158x128xi32, #tpu.memory_space<hbm>>
      %dma_start3A_52 = tpu.memref_squeeze %dma_start3A_51 : memref<1x158x128xi32, #tpu.memory_space<hbm>> -> memref<158x128xi32, #tpu.memory_space<hbm>>
      tpu.enqueue_dma source(%dma_start3A_52 : memref<158x128xi32, #tpu.memory_space<hbm>>) target(%arg7 : memref<158x128xi32, #tpu.memory_space<vmem>>) target_semaphore(%run_scoped3A : memref<!tpu.dma_semaphore, #tpu.memory_space<semaphore_mem>>)
      %dma_wait3A_53 = arith.constant 0 : i32
      %dma_wait3A_54 = arith.constant 0 : i32
      %dma_wait3A_55 = tpu.memref_slice %arg2[%add3A, %dma_wait3A_53, %dma_wait3A_54] : memref<32x158x128xi32, #tpu.memory_space<hbm>> -> memref<1x158x128xi32, #tpu.memory_space<hbm>>
      %dma_wait3A_56 = tpu.memref_squeeze %dma_wait3A_55 : memref<1x158x128xi32, #tpu.memory_space<hbm>> -> memref<158x128xi32, #tpu.memory_space<hbm>>
      %dma_wait3A_57 = arith.constant 0 : i32
      %dma_wait3A_58 = arith.constant 0 : i32
      %dma_wait3A_59 = tpu.memref_slice %arg2[%add3A, %dma_wait3A_57, %dma_wait3A_58] : memref<32x158x128xi32, #tpu.memory_space<hbm>> -> memref<1x158x128xi32, #tpu.memory_space<hbm>>
      %dma_wait3A_60 = tpu.memref_squeeze %dma_wait3A_59 : memref<1x158x128xi32, #tpu.memory_space<hbm>> -> memref<158x128xi32, #tpu.memory_space<hbm>>
      tpu.wait_dma2 semaphore(%run_scoped3A : memref<!tpu.dma_semaphore, #tpu.memory_space<semaphore_mem>>) src(%dma_wait3A_60 : memref<158x128xi32, #tpu.memory_space<hbm>>) dst(%arg7 : memref<158x128xi32, #tpu.memory_space<vmem>>)
      tpu.yield
    }) : () -> ()
    "tpu.region"() ({
      %run_scoped3A = tpu.sem_alloc : memref<!tpu.dma_semaphore, #tpu.memory_space<semaphore_mem>>
      %dma_start3A_45 = arith.constant 0 : i32
      %dma_start3A_46 = arith.constant 0 : i32
      %dma_start3A_47 = tpu.memref_slice %arg3[%arg1, %dma_start3A_45, %dma_start3A_46] : memref<16x158x128xi32, #tpu.memory_space<hbm>> -> memref<1x158x128xi32, #tpu.memory_space<hbm>>
      %dma_start3A_48 = tpu.memref_squeeze %dma_start3A_47 : memref<1x158x128xi32, #tpu.memory_space<hbm>> -> memref<158x128xi32, #tpu.memory_space<hbm>>
      %dma_start3A_49 = arith.constant 0 : i32
      %dma_start3A_50 = arith.constant 0 : i32
      %dma_start3A_51 = tpu.memref_slice %arg3[%arg1, %dma_start3A_49, %dma_start3A_50] : memref<16x158x128xi32, #tpu.memory_space<hbm>> -> memref<1x158x128xi32, #tpu.memory_space<hbm>>
      %dma_start3A_52 = tpu.memref_squeeze %dma_start3A_51 : memref<1x158x128xi32, #tpu.memory_space<hbm>> -> memref<158x128xi32, #tpu.memory_space<hbm>>
      tpu.enqueue_dma source(%dma_start3A_52 : memref<158x128xi32, #tpu.memory_space<hbm>>) target(%arg8 : memref<158x128xi32, #tpu.memory_space<vmem>>) target_semaphore(%run_scoped3A : memref<!tpu.dma_semaphore, #tpu.memory_space<semaphore_mem>>)
      %dma_wait3A_53 = arith.constant 0 : i32
      %dma_wait3A_54 = arith.constant 0 : i32
      %dma_wait3A_55 = tpu.memref_slice %arg3[%arg1, %dma_wait3A_53, %dma_wait3A_54] : memref<16x158x128xi32, #tpu.memory_space<hbm>> -> memref<1x158x128xi32, #tpu.memory_space<hbm>>
      %dma_wait3A_56 = tpu.memref_squeeze %dma_wait3A_55 : memref<1x158x128xi32, #tpu.memory_space<hbm>> -> memref<158x128xi32, #tpu.memory_space<hbm>>
      %dma_wait3A_57 = arith.constant 0 : i32
      %dma_wait3A_58 = arith.constant 0 : i32
      %dma_wait3A_59 = tpu.memref_slice %arg3[%arg1, %dma_wait3A_57, %dma_wait3A_58] : memref<16x158x128xi32, #tpu.memory_space<hbm>> -> memref<1x158x128xi32, #tpu.memory_space<hbm>>
      %dma_wait3A_60 = tpu.memref_squeeze %dma_wait3A_59 : memref<1x158x128xi32, #tpu.memory_space<hbm>> -> memref<158x128xi32, #tpu.memory_space<hbm>>
      tpu.wait_dma2 semaphore(%run_scoped3A : memref<!tpu.dma_semaphore, #tpu.memory_space<semaphore_mem>>) src(%dma_wait3A_60 : memref<158x128xi32, #tpu.memory_space<hbm>>) dst(%arg8 : memref<158x128xi32, #tpu.memory_space<vmem>>)
      tpu.yield
    }) : () -> ()
    %barrier3A = arith.constant 0 : index
    tpu.barrier barrier_id(%barrier3A)
    %dma_start3A = arith.constant 0 : i32
    %dma_start3A_27 = arith.constant 0 : i32
    %dma_start3A_28 = tpu.memref_slice %arg7[%dma_start3A, %dma_start3A_27] : memref<158x128xi32, #tpu.memory_space<vmem>> -> memref<1x128xi32, #tpu.memory_space<vmem>>
    %dma_start3A_29 = tpu.memref_squeeze %dma_start3A_28 : memref<1x128xi32, #tpu.memory_space<vmem>> -> memref<128xi32, #tpu.memory_space<vmem>>
    %dma_start3A_30 = arith.constant 0 : i32
    %dma_start3A_31 = arith.constant 0 : i32
    %dma_start3A_32 = tpu.memref_slice %arg4[%dma_start3A_30, %dma_start3A_31] : memref<20000x64xf32, #tpu.memory_space<hbm>> -> memref<20000x64xf32, #tpu.memory_space<hbm>>
    tpu.enqueue_indirect_dma source(%dma_start3A_32 : memref<20000x64xf32, #tpu.memory_space<hbm>>) target(%arg9 : memref<128x64xf32, #tpu.memory_space<vmem>>) offsets(%dma_start3A_29 : memref<128xi32, #tpu.memory_space<vmem>>) semaphore(%arg12 : memref<!tpu.dma_semaphore, #tpu.memory_space<semaphore_mem>>)
    %scan3A_33 = arith.constant 0 : i32
    %scan3A_34 = arith.constant 79 : i32
    %scan3A_35 = arith.addi %scan3A_33, %scan3A_34 : i32
    %scan3A_36 = arith.constant 1 : i32
    scf.for %scan3A_45 = %scan3A_33 to %scan3A_35 step %scan3A_36  : i32 {
      %mul3A_46 = arith.constant 2 : i32
      %mul3A_47 = arith.muli %scan3A_45, %mul3A_46 : i32
      %add3A_48 = arith.constant 0 : i32
      %add3A_49 = arith.addi %add3A_48, %mul3A_47 : i32
      %add3A_50 = arith.constant 1 : i32
      %add3A_51 = arith.addi %add3A_49, %add3A_50 : i32
      %dma_start3A_52 = arith.constant 0 : i32
      %dma_start3A_53 = tpu.memref_slice %arg7[%add3A_51, %dma_start3A_52] : memref<158x128xi32, #tpu.memory_space<vmem>> -> memref<1x128xi32, #tpu.memory_space<vmem>>
      %dma_start3A_54 = tpu.memref_squeeze %dma_start3A_53 : memref<1x128xi32, #tpu.memory_space<vmem>> -> memref<128xi32, #tpu.memory_space<vmem>>
      %dma_start3A_55 = arith.constant 0 : i32
      %dma_start3A_56 = arith.constant 0 : i32
      %dma_start3A_57 = tpu.memref_slice %arg4[%dma_start3A_55, %dma_start3A_56] : memref<20000x64xf32, #tpu.memory_space<hbm>> -> memref<20000x64xf32, #tpu.memory_space<hbm>>
      tpu.enqueue_indirect_dma source(%dma_start3A_57 : memref<20000x64xf32, #tpu.memory_space<hbm>>) target(%arg10 : memref<128x64xf32, #tpu.memory_space<vmem>>) offsets(%dma_start3A_54 : memref<128xi32, #tpu.memory_space<vmem>>) semaphore(%arg13 : memref<!tpu.dma_semaphore, #tpu.memory_space<semaphore_mem>>)
      %dma_wait3A_58 = arith.constant 0 : i32
      %dma_wait3A_59 = tpu.memref_slice %arg7[%add3A_49, %dma_wait3A_58] : memref<158x128xi32, #tpu.memory_space<vmem>> -> memref<1x128xi32, #tpu.memory_space<vmem>>
      %dma_wait3A_60 = tpu.memref_squeeze %dma_wait3A_59 : memref<1x128xi32, #tpu.memory_space<vmem>> -> memref<128xi32, #tpu.memory_space<vmem>>
      %dma_wait3A_61 = arith.constant 0 : i32
      %dma_wait3A_62 = arith.constant 0 : i32
      %dma_wait3A_63 = tpu.memref_slice %arg4[%dma_wait3A_61, %dma_wait3A_62] : memref<20000x64xf32, #tpu.memory_space<hbm>> -> memref<20000x64xf32, #tpu.memory_space<hbm>>
      tpu.wait_indirect_dma semaphore(%arg12 : memref<!tpu.dma_semaphore, #tpu.memory_space<semaphore_mem>>) src(%dma_wait3A_63 : memref<20000x64xf32, #tpu.memory_space<hbm>>) dst(%arg9 : memref<128x64xf32, #tpu.memory_space<vmem>>)
      "tpu.region"() ({
        %run_scoped3A = tpu.sem_alloc : memref<!tpu.dma_semaphore, #tpu.memory_space<semaphore_mem>>
        %dma_start3A_85 = arith.constant 0 : i32
        %dma_start3A_86 = tpu.memref_slice %arg8[%add3A_49, %dma_start3A_85] : memref<158x128xi32, #tpu.memory_space<vmem>> -> memref<1x128xi32, #tpu.memory_space<vmem>>
        %dma_start3A_87 = tpu.memref_squeeze %dma_start3A_86 : memref<1x128xi32, #tpu.memory_space<vmem>> -> memref<128xi32, #tpu.memory_space<vmem>>
        %dma_start3A_88 = arith.constant 0 : i32
        %dma_start3A_89 = arith.constant 0 : i32
        %dma_start3A_90 = tpu.memref_slice %arg14[%dma_start3A_88, %dma_start3A_89] : memref<10240x64xf32, #tpu.memory_space<vmem_shared>> -> memref<10240x64xf32, #tpu.memory_space<vmem_shared>>
        tpu.enqueue_indirect_dma source(%arg9 : memref<128x64xf32, #tpu.memory_space<vmem>>) target(%dma_start3A_90 : memref<10240x64xf32, #tpu.memory_space<vmem_shared>>) offsets(%dma_start3A_87 : memref<128xi32, #tpu.memory_space<vmem>>) semaphore(%run_scoped3A : memref<!tpu.dma_semaphore, #tpu.memory_space<semaphore_mem>>) {add = true}
        %dma_wait3A_91 = arith.constant 0 : i32
        %dma_wait3A_92 = tpu.memref_slice %arg8[%add3A_49, %dma_wait3A_91] : memref<158x128xi32, #tpu.memory_space<vmem>> -> memref<1x128xi32, #tpu.memory_space<vmem>>
        %dma_wait3A_93 = tpu.memref_squeeze %dma_wait3A_92 : memref<1x128xi32, #tpu.memory_space<vmem>> -> memref<128xi32, #tpu.memory_space<vmem>>
        %dma_wait3A_94 = arith.constant 0 : i32
        %dma_wait3A_95 = arith.constant 0 : i32
        %dma_wait3A_96 = tpu.memref_slice %arg14[%dma_wait3A_94, %dma_wait3A_95] : memref<10240x64xf32, #tpu.memory_space<vmem_shared>> -> memref<10240x64xf32, #tpu.memory_space<vmem_shared>>
        tpu.wait_indirect_dma semaphore(%run_scoped3A : memref<!tpu.dma_semaphore, #tpu.memory_space<semaphore_mem>>) src(%arg9 : memref<128x64xf32, #tpu.memory_space<vmem>>) dst(%dma_wait3A_96 : memref<10240x64xf32, #tpu.memory_space<vmem_shared>>)
        tpu.yield
      }) : () -> ()
      "tpu.region"() ({
        %run_scoped3A = tpu.sem_alloc : memref<!tpu.dma_semaphore, #tpu.memory_space<semaphore_mem>>
        %dma_start3A_85 = arith.constant 0 : i32
        %dma_start3A_86 = tpu.memref_slice %arg8[%add3A_49, %dma_start3A_85] : memref<158x128xi32, #tpu.memory_space<vmem>> -> memref<1x128xi32, #tpu.memory_space<vmem>>
        %dma_start3A_87 = tpu.memref_squeeze %dma_start3A_86 : memref<1x128xi32, #tpu.memory_space<vmem>> -> memref<128xi32, #tpu.memory_space<vmem>>
        %dma_start3A_88 = arith.constant 0 : i32
        %dma_start3A_89 = arith.constant 0 : i32
        %dma_start3A_90 = tpu.memref_slice %arg17[%dma_start3A_88, %dma_start3A_89] : memref<10240x16xf32, #tpu.memory_space<vmem_shared>> -> memref<10240x16xf32, #tpu.memory_space<vmem_shared>>
        tpu.enqueue_indirect_dma source(%arg15 : memref<128x16xf32, #tpu.memory_space<vmem>>) target(%dma_start3A_90 : memref<10240x16xf32, #tpu.memory_space<vmem_shared>>) offsets(%dma_start3A_87 : memref<128xi32, #tpu.memory_space<vmem>>) semaphore(%run_scoped3A : memref<!tpu.dma_semaphore, #tpu.memory_space<semaphore_mem>>) {add = true}
        %dma_wait3A_91 = arith.constant 0 : i32
        %dma_wait3A_92 = tpu.memref_slice %arg8[%add3A_49, %dma_wait3A_91] : memref<158x128xi32, #tpu.memory_space<vmem>> -> memref<1x128xi32, #tpu.memory_space<vmem>>
        %dma_wait3A_93 = tpu.memref_squeeze %dma_wait3A_92 : memref<1x128xi32, #tpu.memory_space<vmem>> -> memref<128xi32, #tpu.memory_space<vmem>>
        %dma_wait3A_94 = arith.constant 0 : i32
        %dma_wait3A_95 = arith.constant 0 : i32
        %dma_wait3A_96 = tpu.memref_slice %arg17[%dma_wait3A_94, %dma_wait3A_95] : memref<10240x16xf32, #tpu.memory_space<vmem_shared>> -> memref<10240x16xf32, #tpu.memory_space<vmem_shared>>
        tpu.wait_indirect_dma semaphore(%run_scoped3A : memref<!tpu.dma_semaphore, #tpu.memory_space<semaphore_mem>>) src(%arg15 : memref<128x16xf32, #tpu.memory_space<vmem>>) dst(%dma_wait3A_96 : memref<10240x16xf32, #tpu.memory_space<vmem_shared>>)
        tpu.yield
      }) : () -> ()
      %add3A_64 = arith.constant 2 : i32
      %add3A_65 = arith.addi %add3A_49, %add3A_64 : i32
      %min3A = arith.constant 157 : i32
      %min3A_66 = arith.minsi %add3A_65, %min3A : i32
      %dma_start3A_67 = arith.constant 0 : i32
      %dma_start3A_68 = tpu.memref_slice %arg7[%min3A_66, %dma_start3A_67] : memref<158x128xi32, #tpu.memory_space<vmem>> -> memref<1x128xi32, #tpu.memory_space<vmem>>
      %dma_start3A_69 = tpu.memref_squeeze %dma_start3A_68 : memref<1x128xi32, #tpu.memory_space<vmem>> -> memref<128xi32, #tpu.memory_space<vmem>>
      %dma_start3A_70 = arith.constant 0 : i32
      %dma_start3A_71 = arith.constant 0 : i32
      %dma_start3A_72 = tpu.memref_slice %arg4[%dma_start3A_70, %dma_start3A_71] : memref<20000x64xf32, #tpu.memory_space<hbm>> -> memref<20000x64xf32, #tpu.memory_space<hbm>>
      tpu.enqueue_indirect_dma source(%dma_start3A_72 : memref<20000x64xf32, #tpu.memory_space<hbm>>) target(%arg9 : memref<128x64xf32, #tpu.memory_space<vmem>>) offsets(%dma_start3A_69 : memref<128xi32, #tpu.memory_space<vmem>>) semaphore(%arg12 : memref<!tpu.dma_semaphore, #tpu.memory_space<semaphore_mem>>)
      %add3A_73 = arith.constant 1 : i32
      %add3A_74 = arith.addi %add3A_49, %add3A_73 : i32
      %dma_wait3A_75 = arith.constant 0 : i32
      %dma_wait3A_76 = tpu.memref_slice %arg7[%add3A_74, %dma_wait3A_75] : memref<158x128xi32, #tpu.memory_space<vmem>> -> memref<1x128xi32, #tpu.memory_space<vmem>>
      %dma_wait3A_77 = tpu.memref_squeeze %dma_wait3A_76 : memref<1x128xi32, #tpu.memory_space<vmem>> -> memref<128xi32, #tpu.memory_space<vmem>>
      %dma_wait3A_78 = arith.constant 0 : i32
      %dma_wait3A_79 = arith.constant 0 : i32
      %dma_wait3A_80 = tpu.memref_slice %arg4[%dma_wait3A_78, %dma_wait3A_79] : memref<20000x64xf32, #tpu.memory_space<hbm>> -> memref<20000x64xf32, #tpu.memory_space<hbm>>
      tpu.wait_indirect_dma semaphore(%arg13 : memref<!tpu.dma_semaphore, #tpu.memory_space<semaphore_mem>>) src(%dma_wait3A_80 : memref<20000x64xf32, #tpu.memory_space<hbm>>) dst(%arg10 : memref<128x64xf32, #tpu.memory_space<vmem>>)
      %add3A_81 = arith.constant 1 : i32
      %add3A_82 = arith.addi %add3A_49, %add3A_81 : i32
      "tpu.region"() ({
        %run_scoped3A = tpu.sem_alloc : memref<!tpu.dma_semaphore, #tpu.memory_space<semaphore_mem>>
        %dma_start3A_85 = arith.constant 0 : i32
        %dma_start3A_86 = tpu.memref_slice %arg8[%add3A_82, %dma_start3A_85] : memref<158x128xi32, #tpu.memory_space<vmem>> -> memref<1x128xi32, #tpu.memory_space<vmem>>
        %dma_start3A_87 = tpu.memref_squeeze %dma_start3A_86 : memref<1x128xi32, #tpu.memory_space<vmem>> -> memref<128xi32, #tpu.memory_space<vmem>>
        %dma_start3A_88 = arith.constant 0 : i32
        %dma_start3A_89 = arith.constant 0 : i32
        %dma_start3A_90 = tpu.memref_slice %arg14[%dma_start3A_88, %dma_start3A_89] : memref<10240x64xf32, #tpu.memory_space<vmem_shared>> -> memref<10240x64xf32, #tpu.memory_space<vmem_shared>>
        tpu.enqueue_indirect_dma source(%arg10 : memref<128x64xf32, #tpu.memory_space<vmem>>) target(%dma_start3A_90 : memref<10240x64xf32, #tpu.memory_space<vmem_shared>>) offsets(%dma_start3A_87 : memref<128xi32, #tpu.memory_space<vmem>>) semaphore(%run_scoped3A : memref<!tpu.dma_semaphore, #tpu.memory_space<semaphore_mem>>) {add = true}
        %dma_wait3A_91 = arith.constant 0 : i32
        %dma_wait3A_92 = tpu.memref_slice %arg8[%add3A_82, %dma_wait3A_91] : memref<158x128xi32, #tpu.memory_space<vmem>> -> memref<1x128xi32, #tpu.memory_space<vmem>>
        %dma_wait3A_93 = tpu.memref_squeeze %dma_wait3A_92 : memref<1x128xi32, #tpu.memory_space<vmem>> -> memref<128xi32, #tpu.memory_space<vmem>>
        %dma_wait3A_94 = arith.constant 0 : i32
        %dma_wait3A_95 = arith.constant 0 : i32
        %dma_wait3A_96 = tpu.memref_slice %arg14[%dma_wait3A_94, %dma_wait3A_95] : memref<10240x64xf32, #tpu.memory_space<vmem_shared>> -> memref<10240x64xf32, #tpu.memory_space<vmem_shared>>
        tpu.wait_indirect_dma semaphore(%run_scoped3A : memref<!tpu.dma_semaphore, #tpu.memory_space<semaphore_mem>>) src(%arg10 : memref<128x64xf32, #tpu.memory_space<vmem>>) dst(%dma_wait3A_96 : memref<10240x64xf32, #tpu.memory_space<vmem_shared>>)
        tpu.yield
      }) : () -> ()
      %add3A_83 = arith.constant 1 : i32
      %add3A_84 = arith.addi %add3A_49, %add3A_83 : i32
      "tpu.region"() ({
        %run_scoped3A = tpu.sem_alloc : memref<!tpu.dma_semaphore, #tpu.memory_space<semaphore_mem>>
        %dma_start3A_85 = arith.constant 0 : i32
        %dma_start3A_86 = tpu.memref_slice %arg8[%add3A_84, %dma_start3A_85] : memref<158x128xi32, #tpu.memory_space<vmem>> -> memref<1x128xi32, #tpu.memory_space<vmem>>
        %dma_start3A_87 = tpu.memref_squeeze %dma_start3A_86 : memref<1x128xi32, #tpu.memory_space<vmem>> -> memref<128xi32, #tpu.memory_space<vmem>>
        %dma_start3A_88 = arith.constant 0 : i32
        %dma_start3A_89 = arith.constant 0 : i32
        %dma_start3A_90 = tpu.memref_slice %arg17[%dma_start3A_88, %dma_start3A_89] : memref<10240x16xf32, #tpu.memory_space<vmem_shared>> -> memref<10240x16xf32, #tpu.memory_space<vmem_shared>>
        tpu.enqueue_indirect_dma source(%arg15 : memref<128x16xf32, #tpu.memory_space<vmem>>) target(%dma_start3A_90 : memref<10240x16xf32, #tpu.memory_space<vmem_shared>>) offsets(%dma_start3A_87 : memref<128xi32, #tpu.memory_space<vmem>>) semaphore(%run_scoped3A : memref<!tpu.dma_semaphore, #tpu.memory_space<semaphore_mem>>) {add = true}
        %dma_wait3A_91 = arith.constant 0 : i32
        %dma_wait3A_92 = tpu.memref_slice %arg8[%add3A_84, %dma_wait3A_91] : memref<158x128xi32, #tpu.memory_space<vmem>> -> memref<1x128xi32, #tpu.memory_space<vmem>>
        %dma_wait3A_93 = tpu.memref_squeeze %dma_wait3A_92 : memref<1x128xi32, #tpu.memory_space<vmem>> -> memref<128xi32, #tpu.memory_space<vmem>>
        %dma_wait3A_94 = arith.constant 0 : i32
        %dma_wait3A_95 = arith.constant 0 : i32
        %dma_wait3A_96 = tpu.memref_slice %arg17[%dma_wait3A_94, %dma_wait3A_95] : memref<10240x16xf32, #tpu.memory_space<vmem_shared>> -> memref<10240x16xf32, #tpu.memory_space<vmem_shared>>
        tpu.wait_indirect_dma semaphore(%run_scoped3A : memref<!tpu.dma_semaphore, #tpu.memory_space<semaphore_mem>>) src(%arg15 : memref<128x16xf32, #tpu.memory_space<vmem>>) dst(%dma_wait3A_96 : memref<10240x16xf32, #tpu.memory_space<vmem_shared>>)
        tpu.yield
      }) : () -> ()
    }
    %scan3A_37 = arith.constant 79 : i32
    %dma_wait3A = arith.constant 157 : i32
    %dma_wait3A_38 = arith.constant 0 : i32
    %dma_wait3A_39 = tpu.memref_slice %arg7[%dma_wait3A, %dma_wait3A_38] : memref<158x128xi32, #tpu.memory_space<vmem>> -> memref<1x128xi32, #tpu.memory_space<vmem>>
    %dma_wait3A_40 = tpu.memref_squeeze %dma_wait3A_39 : memref<1x128xi32, #tpu.memory_space<vmem>> -> memref<128xi32, #tpu.memory_space<vmem>>
    %dma_wait3A_41 = arith.constant 0 : i32
    %dma_wait3A_42 = arith.constant 0 : i32
    %dma_wait3A_43 = tpu.memref_slice %arg4[%dma_wait3A_41, %dma_wait3A_42] : memref<20000x64xf32, #tpu.memory_space<hbm>> -> memref<20000x64xf32, #tpu.memory_space<hbm>>
    tpu.wait_indirect_dma semaphore(%arg12 : memref<!tpu.dma_semaphore, #tpu.memory_space<semaphore_mem>>) src(%dma_wait3A_43 : memref<20000x64xf32, #tpu.memory_space<hbm>>) dst(%arg9 : memref<128x64xf32, #tpu.memory_space<vmem>>)
    %barrier3A_44 = arith.constant 0 : index
    tpu.barrier barrier_id(%barrier3A_44)
    "tpu.region"() ({
      %run_scoped3A = tpu.sem_alloc : memref<!tpu.dma_semaphore, #tpu.memory_space<semaphore_mem>>
      %dma_start3A_45 = arith.constant 0 : i32
      %dma_start3A_46 = arith.constant 0 : i32
      %dma_start3A_47 = tpu.memref_slice %arg5[%arg0, %dma_start3A_45, %dma_start3A_46] : memref<2x10240x64xf32, #tpu.memory_space<hbm>> -> memref<1x10240x64xf32, #tpu.memory_space<hbm>>
      %dma_start3A_48 = tpu.memref_squeeze %dma_start3A_47 : memref<1x10240x64xf32, #tpu.memory_space<hbm>> -> memref<10240x64xf32, #tpu.memory_space<hbm>>
      %dma_start3A_49 = arith.constant 0 : i32
      %dma_start3A_50 = tpu.memref_slice %dma_start3A_48[%mul3A_2, %dma_start3A_49] : memref<10240x64xf32, #tpu.memory_space<hbm>> -> memref<640x64xf32, #tpu.memory_space<hbm>>
      %dma_start3A_51 = arith.constant 0 : i32
      %dma_start3A_52 = tpu.memref_slice %arg14[%mul3A_2, %dma_start3A_51] : memref<10240x64xf32, #tpu.memory_space<vmem_shared>> -> memref<640x64xf32, #tpu.memory_space<vmem_shared>>
      tpu.enqueue_dma source(%dma_start3A_52 : memref<640x64xf32, #tpu.memory_space<vmem_shared>>) target(%dma_start3A_50 : memref<640x64xf32, #tpu.memory_space<hbm>>) target_semaphore(%run_scoped3A : memref<!tpu.dma_semaphore, #tpu.memory_space<semaphore_mem>>)
      %dma_wait3A_53 = arith.constant 0 : i32
      %dma_wait3A_54 = arith.constant 0 : i32
      %dma_wait3A_55 = tpu.memref_slice %arg5[%arg0, %dma_wait3A_53, %dma_wait3A_54] : memref<2x10240x64xf32, #tpu.memory_space<hbm>> -> memref<1x10240x64xf32, #tpu.memory_space<hbm>>
      %dma_wait3A_56 = tpu.memref_squeeze %dma_wait3A_55 : memref<1x10240x64xf32, #tpu.memory_space<hbm>> -> memref<10240x64xf32, #tpu.memory_space<hbm>>
      %dma_wait3A_57 = arith.constant 0 : i32
      %dma_wait3A_58 = tpu.memref_slice %dma_wait3A_56[%mul3A_2, %dma_wait3A_57] : memref<10240x64xf32, #tpu.memory_space<hbm>> -> memref<640x64xf32, #tpu.memory_space<hbm>>
      %dma_wait3A_59 = arith.constant 0 : i32
      %dma_wait3A_60 = tpu.memref_slice %arg14[%mul3A_2, %dma_wait3A_59] : memref<10240x64xf32, #tpu.memory_space<vmem_shared>> -> memref<640x64xf32, #tpu.memory_space<vmem_shared>>
      tpu.wait_dma2 semaphore(%run_scoped3A : memref<!tpu.dma_semaphore, #tpu.memory_space<semaphore_mem>>) src(%dma_wait3A_60 : memref<640x64xf32, #tpu.memory_space<vmem_shared>>) dst(%dma_wait3A_58 : memref<640x64xf32, #tpu.memory_space<hbm>>)
      tpu.yield
    }) : () -> ()
    "tpu.region"() ({
      %run_scoped3A = tpu.sem_alloc : memref<!tpu.dma_semaphore, #tpu.memory_space<semaphore_mem>>
      %dma_start3A_45 = arith.constant 0 : i32
      %dma_start3A_46 = arith.constant 0 : i32
      %dma_start3A_47 = tpu.memref_slice %arg6[%arg0, %dma_start3A_45, %dma_start3A_46] : memref<2x10240x16xf32, #tpu.memory_space<hbm>> -> memref<1x10240x16xf32, #tpu.memory_space<hbm>>
      %dma_start3A_48 = tpu.memref_squeeze %dma_start3A_47 : memref<1x10240x16xf32, #tpu.memory_space<hbm>> -> memref<10240x16xf32, #tpu.memory_space<hbm>>
      %dma_start3A_49 = arith.constant 0 : i32
      %dma_start3A_50 = tpu.memref_slice %dma_start3A_48[%mul3A_2, %dma_start3A_49] : memref<10240x16xf32, #tpu.memory_space<hbm>> -> memref<640x16xf32, #tpu.memory_space<hbm>>
      %dma_start3A_51 = arith.constant 0 : i32
      %dma_start3A_52 = tpu.memref_slice %arg17[%mul3A_2, %dma_start3A_51] : memref<10240x16xf32, #tpu.memory_space<vmem_shared>> -> memref<640x16xf32, #tpu.memory_space<vmem_shared>>
      tpu.enqueue_dma source(%dma_start3A_52 : memref<640x16xf32, #tpu.memory_space<vmem_shared>>) target(%dma_start3A_50 : memref<640x16xf32, #tpu.memory_space<hbm>>) target_semaphore(%run_scoped3A : memref<!tpu.dma_semaphore, #tpu.memory_space<semaphore_mem>>)
      %dma_wait3A_53 = arith.constant 0 : i32
      %dma_wait3A_54 = arith.constant 0 : i32
      %dma_wait3A_55 = tpu.memref_slice %arg6[%arg0, %dma_wait3A_53, %dma_wait3A_54] : memref<2x10240x16xf32, #tpu.memory_space<hbm>> -> memref<1x10240x16xf32, #tpu.memory_space<hbm>>
      %dma_wait3A_56 = tpu.memref_squeeze %dma_wait3A_55 : memref<1x10240x16xf32, #tpu.memory_space<hbm>> -> memref<10240x16xf32, #tpu.memory_space<hbm>>
      %dma_wait3A_57 = arith.constant 0 : i32
      %dma_wait3A_58 = tpu.memref_slice %dma_wait3A_56[%mul3A_2, %dma_wait3A_57] : memref<10240x16xf32, #tpu.memory_space<hbm>> -> memref<640x16xf32, #tpu.memory_space<hbm>>
      %dma_wait3A_59 = arith.constant 0 : i32
      %dma_wait3A_60 = tpu.memref_slice %arg17[%mul3A_2, %dma_wait3A_59] : memref<10240x16xf32, #tpu.memory_space<vmem_shared>> -> memref<640x16xf32, #tpu.memory_space<vmem_shared>>
      tpu.wait_dma2 semaphore(%run_scoped3A : memref<!tpu.dma_semaphore, #tpu.memory_space<semaphore_mem>>) src(%dma_wait3A_60 : memref<640x16xf32, #tpu.memory_space<vmem_shared>>) dst(%dma_wait3A_58 : memref<640x16xf32, #tpu.memory_space<hbm>>)
      tpu.yield
    }) : () -> ()
    return
  }
}

#map = affine_map<(d0, d1) -> (0, 0, 0)>
#map1 = affine_map<(d0, d1) -> (0, 0)>
module attributes {stable_mosaic.version = 14 : i64} {
  func.func @_seg_body(%arg0: i32, %arg1: i32, %arg2: memref<32x158x128xi32, #tpu.memory_space<hbm>>, %arg3: memref<16x158x128xi32, #tpu.memory_space<hbm>>, %arg4: memref<20000x64xf32, #tpu.memory_space<hbm>>, %arg5: memref<2x10240x64xf32, #tpu.memory_space<hbm>>, %arg6: memref<158x128xi32, #tpu.memory_space<vmem>>, %arg7: memref<158x128xi32, #tpu.memory_space<vmem>>, %arg8: memref<128x64xf32, #tpu.memory_space<vmem>>, %arg9: memref<128x64xf32, #tpu.memory_space<vmem>>, %arg10: memref<160x64xf32, #tpu.memory_space<vmem>>, %arg11: memref<!tpu.dma_semaphore, #tpu.memory_space<semaphore_mem>>, %arg12: memref<!tpu.dma_semaphore, #tpu.memory_space<semaphore_mem>>, %arg13: memref<10240x64xf32, #tpu.memory_space<vmem_shared>>) attributes {dimension_semantics = [#tpu.dimension_semantics<core_parallel>, #tpu.dimension_semantics<subcore_parallel>], iteration_bounds = array<i64: 2, 16>, scalar_prefetch = 0 : i64, scratch_operands = 8 : i64, tpu.core_type = #tpu.core_type<sc_vector_subcore>, window_params = [{transform_indices = #map}, {transform_indices = #map}, {transform_indices = #map1}, {transform_indices = #map}]} {
    %mul3A = arith.constant 16 : i32
    %mul3A_0 = arith.muli %arg0, %mul3A : i32
    %add3A = arith.addi %mul3A_0, %arg1 : i32
    %mul3A_1 = arith.constant 640 : i32
    %mul3A_2 = arith.muli %arg1, %mul3A_1 : i32
    %scan3A = arith.constant 0 : i32
    %scan3A_3 = arith.constant 160 : i32
    %scan3A_4 = arith.addi %scan3A, %scan3A_3 : i32
    %scan3A_5 = arith.constant 1 : i32
    scf.for %scan3A_30 = %scan3A to %scan3A_4 step %scan3A_5  : i32 {
      %mul3A_31 = arith.constant 1 : i32
      %mul3A_32 = arith.muli %scan3A_30, %mul3A_31 : i32
      %add3A_33 = arith.constant 0 : i32
      %add3A_34 = arith.addi %add3A_33, %mul3A_32 : i32
      %broadcast_in_dim3A = arith.constant 0.000000e+00 : f32
      %broadcast_in_dim3A_35 = vector.broadcast %broadcast_in_dim3A : f32 to vector<16xf32>
      %swap3A = arith.index_cast %add3A_34 : i32 to index
      %swap3A_36 = arith.constant 0 : index
      %swap3A_37 = tpu.vector_load %arg10[%swap3A, %swap3A_36] {strides = array<i32>} : memref<160x64xf32, #tpu.memory_space<vmem>>, vector<1x16xf32>,
      %swap3A_38 = vector.shape_cast %swap3A_37 : vector<1x16xf32> to vector<16xf32>
      %swap3A_39 = vector.shape_cast %broadcast_in_dim3A_35 : vector<16xf32> to vector<1x16xf32>
      tpu.vector_store %arg10[%swap3A, %swap3A_36], %swap3A_39 {strides = array<i32>} : memref<160x64xf32, #tpu.memory_space<vmem>>, vector<1x16xf32>,
      %broadcast_in_dim3A_40 = arith.constant 0.000000e+00 : f32
      %broadcast_in_dim3A_41 = vector.broadcast %broadcast_in_dim3A_40 : f32 to vector<16xf32>
      %swap3A_42 = arith.index_cast %add3A_34 : i32 to index
      %swap3A_43 = arith.constant 16 : index
      %swap3A_44 = tpu.vector_load %arg10[%swap3A_42, %swap3A_43] {strides = array<i32>} : memref<160x64xf32, #tpu.memory_space<vmem>>, vector<1x16xf32>,
      %swap3A_45 = vector.shape_cast %swap3A_44 : vector<1x16xf32> to vector<16xf32>
      %swap3A_46 = vector.shape_cast %broadcast_in_dim3A_41 : vector<16xf32> to vector<1x16xf32>
      tpu.vector_store %arg10[%swap3A_42, %swap3A_43], %swap3A_46 {strides = array<i32>} : memref<160x64xf32, #tpu.memory_space<vmem>>, vector<1x16xf32>,
      %broadcast_in_dim3A_47 = arith.constant 0.000000e+00 : f32
      %broadcast_in_dim3A_48 = vector.broadcast %broadcast_in_dim3A_47 : f32 to vector<16xf32>
      %swap3A_49 = arith.index_cast %add3A_34 : i32 to index
      %swap3A_50 = arith.constant 32 : index
      %swap3A_51 = tpu.vector_load %arg10[%swap3A_49, %swap3A_50] {strides = array<i32>} : memref<160x64xf32, #tpu.memory_space<vmem>>, vector<1x16xf32>,
      %swap3A_52 = vector.shape_cast %swap3A_51 : vector<1x16xf32> to vector<16xf32>
      %swap3A_53 = vector.shape_cast %broadcast_in_dim3A_48 : vector<16xf32> to vector<1x16xf32>
      tpu.vector_store %arg10[%swap3A_49, %swap3A_50], %swap3A_53 {strides = array<i32>} : memref<160x64xf32, #tpu.memory_space<vmem>>, vector<1x16xf32>,
      %broadcast_in_dim3A_54 = arith.constant 0.000000e+00 : f32
      %broadcast_in_dim3A_55 = vector.broadcast %broadcast_in_dim3A_54 : f32 to vector<16xf32>
      %swap3A_56 = arith.index_cast %add3A_34 : i32 to index
      %swap3A_57 = arith.constant 48 : index
      %swap3A_58 = tpu.vector_load %arg10[%swap3A_56, %swap3A_57] {strides = array<i32>} : memref<160x64xf32, #tpu.memory_space<vmem>>, vector<1x16xf32>,
      %swap3A_59 = vector.shape_cast %swap3A_58 : vector<1x16xf32> to vector<16xf32>
      %swap3A_60 = vector.shape_cast %broadcast_in_dim3A_55 : vector<16xf32> to vector<1x16xf32>
      tpu.vector_store %arg10[%swap3A_56, %swap3A_57], %swap3A_60 {strides = array<i32>} : memref<160x64xf32, #tpu.memory_space<vmem>>, vector<1x16xf32>,
    }
    %scan3A_6 = arith.constant 160 : i32
    %scan3A_7 = arith.constant 0 : i32
    %scan3A_8 = arith.constant 4 : i32
    %scan3A_9 = arith.addi %scan3A_7, %scan3A_8 : i32
    %scan3A_10 = arith.constant 1 : i32
    scf.for %scan3A_30 = %scan3A_7 to %scan3A_9 step %scan3A_10  : i32 {
      %mul3A_31 = arith.constant 1 : i32
      %mul3A_32 = arith.muli %scan3A_30, %mul3A_31 : i32
      %add3A_33 = arith.constant 0 : i32
      %add3A_34 = arith.addi %add3A_33, %mul3A_32 : i32
      %mul3A_35 = arith.constant 160 : i32
      %mul3A_36 = arith.muli %add3A_34, %mul3A_35 : i32
      %add3A_37 = arith.addi %mul3A_2, %mul3A_36 : i32
      "tpu.region"() ({
        %run_scoped3A = tpu.sem_alloc : memref<!tpu.dma_semaphore, #tpu.memory_space<semaphore_mem>>
        %dma_start3A_38 = arith.constant 0 : i32
        %dma_start3A_39 = tpu.memref_slice %arg13[%add3A_37, %dma_start3A_38] : memref<10240x64xf32, #tpu.memory_space<vmem_shared>> -> memref<160x64xf32, #tpu.memory_space<vmem_shared>>
        %dma_start3A_40 = arith.constant 0 : i32
        %dma_start3A_41 = tpu.memref_slice %arg13[%add3A_37, %dma_start3A_40] : memref<10240x64xf32, #tpu.memory_space<vmem_shared>> -> memref<160x64xf32, #tpu.memory_space<vmem_shared>>
        tpu.enqueue_dma source(%arg10 : memref<160x64xf32, #tpu.memory_space<vmem>>) target(%dma_start3A_41 : memref<160x64xf32, #tpu.memory_space<vmem_shared>>) target_semaphore(%run_scoped3A : memref<!tpu.dma_semaphore, #tpu.memory_space<semaphore_mem>>)
        %dma_wait3A_42 = arith.constant 0 : i32
        %dma_wait3A_43 = tpu.memref_slice %arg13[%add3A_37, %dma_wait3A_42] : memref<10240x64xf32, #tpu.memory_space<vmem_shared>> -> memref<160x64xf32, #tpu.memory_space<vmem_shared>>
        %dma_wait3A_44 = arith.constant 0 : i32
        %dma_wait3A_45 = tpu.memref_slice %arg13[%add3A_37, %dma_wait3A_44] : memref<10240x64xf32, #tpu.memory_space<vmem_shared>> -> memref<160x64xf32, #tpu.memory_space<vmem_shared>>
        tpu.wait_dma2 semaphore(%run_scoped3A : memref<!tpu.dma_semaphore, #tpu.memory_space<semaphore_mem>>) src(%arg10 : memref<160x64xf32, #tpu.memory_space<vmem>>) dst(%dma_wait3A_45 : memref<160x64xf32, #tpu.memory_space<vmem_shared>>)
        tpu.yield
      }) : () -> ()
    }
    %scan3A_11 = arith.constant 4 : i32
    "tpu.region"() ({
      %run_scoped3A = tpu.sem_alloc : memref<!tpu.dma_semaphore, #tpu.memory_space<semaphore_mem>>
      %dma_start3A_30 = arith.constant 0 : i32
      %dma_start3A_31 = arith.constant 0 : i32
      %dma_start3A_32 = tpu.memref_slice %arg2[%add3A, %dma_start3A_30, %dma_start3A_31] : memref<32x158x128xi32, #tpu.memory_space<hbm>> -> memref<1x158x128xi32, #tpu.memory_space<hbm>>
      %dma_start3A_33 = tpu.memref_squeeze %dma_start3A_32 : memref<1x158x128xi32, #tpu.memory_space<hbm>> -> memref<158x128xi32, #tpu.memory_space<hbm>>
      %dma_start3A_34 = arith.constant 0 : i32
      %dma_start3A_35 = arith.constant 0 : i32
      %dma_start3A_36 = tpu.memref_slice %arg2[%add3A, %dma_start3A_34, %dma_start3A_35] : memref<32x158x128xi32, #tpu.memory_space<hbm>> -> memref<1x158x128xi32, #tpu.memory_space<hbm>>
      %dma_start3A_37 = tpu.memref_squeeze %dma_start3A_36 : memref<1x158x128xi32, #tpu.memory_space<hbm>> -> memref<158x128xi32, #tpu.memory_space<hbm>>
      tpu.enqueue_dma source(%dma_start3A_37 : memref<158x128xi32, #tpu.memory_space<hbm>>) target(%arg6 : memref<158x128xi32, #tpu.memory_space<vmem>>) target_semaphore(%run_scoped3A : memref<!tpu.dma_semaphore, #tpu.memory_space<semaphore_mem>>)
      %dma_wait3A_38 = arith.constant 0 : i32
      %dma_wait3A_39 = arith.constant 0 : i32
      %dma_wait3A_40 = tpu.memref_slice %arg2[%add3A, %dma_wait3A_38, %dma_wait3A_39] : memref<32x158x128xi32, #tpu.memory_space<hbm>> -> memref<1x158x128xi32, #tpu.memory_space<hbm>>
      %dma_wait3A_41 = tpu.memref_squeeze %dma_wait3A_40 : memref<1x158x128xi32, #tpu.memory_space<hbm>> -> memref<158x128xi32, #tpu.memory_space<hbm>>
      %dma_wait3A_42 = arith.constant 0 : i32
      %dma_wait3A_43 = arith.constant 0 : i32
      %dma_wait3A_44 = tpu.memref_slice %arg2[%add3A, %dma_wait3A_42, %dma_wait3A_43] : memref<32x158x128xi32, #tpu.memory_space<hbm>> -> memref<1x158x128xi32, #tpu.memory_space<hbm>>
      %dma_wait3A_45 = tpu.memref_squeeze %dma_wait3A_44 : memref<1x158x128xi32, #tpu.memory_space<hbm>> -> memref<158x128xi32, #tpu.memory_space<hbm>>
      tpu.wait_dma2 semaphore(%run_scoped3A : memref<!tpu.dma_semaphore, #tpu.memory_space<semaphore_mem>>) src(%dma_wait3A_45 : memref<158x128xi32, #tpu.memory_space<hbm>>) dst(%arg6 : memref<158x128xi32, #tpu.memory_space<vmem>>)
      tpu.yield
    }) : () -> ()
    "tpu.region"() ({
      %run_scoped3A = tpu.sem_alloc : memref<!tpu.dma_semaphore, #tpu.memory_space<semaphore_mem>>
      %dma_start3A_30 = arith.constant 0 : i32
      %dma_start3A_31 = arith.constant 0 : i32
      %dma_start3A_32 = tpu.memref_slice %arg3[%arg1, %dma_start3A_30, %dma_start3A_31] : memref<16x158x128xi32, #tpu.memory_space<hbm>> -> memref<1x158x128xi32, #tpu.memory_space<hbm>>
      %dma_start3A_33 = tpu.memref_squeeze %dma_start3A_32 : memref<1x158x128xi32, #tpu.memory_space<hbm>> -> memref<158x128xi32, #tpu.memory_space<hbm>>
      %dma_start3A_34 = arith.constant 0 : i32
      %dma_start3A_35 = arith.constant 0 : i32
      %dma_start3A_36 = tpu.memref_slice %arg3[%arg1, %dma_start3A_34, %dma_start3A_35] : memref<16x158x128xi32, #tpu.memory_space<hbm>> -> memref<1x158x128xi32, #tpu.memory_space<hbm>>
      %dma_start3A_37 = tpu.memref_squeeze %dma_start3A_36 : memref<1x158x128xi32, #tpu.memory_space<hbm>> -> memref<158x128xi32, #tpu.memory_space<hbm>>
      tpu.enqueue_dma source(%dma_start3A_37 : memref<158x128xi32, #tpu.memory_space<hbm>>) target(%arg7 : memref<158x128xi32, #tpu.memory_space<vmem>>) target_semaphore(%run_scoped3A : memref<!tpu.dma_semaphore, #tpu.memory_space<semaphore_mem>>)
      %dma_wait3A_38 = arith.constant 0 : i32
      %dma_wait3A_39 = arith.constant 0 : i32
      %dma_wait3A_40 = tpu.memref_slice %arg3[%arg1, %dma_wait3A_38, %dma_wait3A_39] : memref<16x158x128xi32, #tpu.memory_space<hbm>> -> memref<1x158x128xi32, #tpu.memory_space<hbm>>
      %dma_wait3A_41 = tpu.memref_squeeze %dma_wait3A_40 : memref<1x158x128xi32, #tpu.memory_space<hbm>> -> memref<158x128xi32, #tpu.memory_space<hbm>>
      %dma_wait3A_42 = arith.constant 0 : i32
      %dma_wait3A_43 = arith.constant 0 : i32
      %dma_wait3A_44 = tpu.memref_slice %arg3[%arg1, %dma_wait3A_42, %dma_wait3A_43] : memref<16x158x128xi32, #tpu.memory_space<hbm>> -> memref<1x158x128xi32, #tpu.memory_space<hbm>>
      %dma_wait3A_45 = tpu.memref_squeeze %dma_wait3A_44 : memref<1x158x128xi32, #tpu.memory_space<hbm>> -> memref<158x128xi32, #tpu.memory_space<hbm>>
      tpu.wait_dma2 semaphore(%run_scoped3A : memref<!tpu.dma_semaphore, #tpu.memory_space<semaphore_mem>>) src(%dma_wait3A_45 : memref<158x128xi32, #tpu.memory_space<hbm>>) dst(%arg7 : memref<158x128xi32, #tpu.memory_space<vmem>>)
      tpu.yield
    }) : () -> ()
    %barrier3A = arith.constant 0 : index
    tpu.barrier barrier_id(%barrier3A)
    %dma_start3A = arith.constant 0 : i32
    %dma_start3A_12 = arith.constant 0 : i32
    %dma_start3A_13 = tpu.memref_slice %arg6[%dma_start3A, %dma_start3A_12] : memref<158x128xi32, #tpu.memory_space<vmem>> -> memref<1x128xi32, #tpu.memory_space<vmem>>
    %dma_start3A_14 = tpu.memref_squeeze %dma_start3A_13 : memref<1x128xi32, #tpu.memory_space<vmem>> -> memref<128xi32, #tpu.memory_space<vmem>>
    %dma_start3A_15 = arith.constant 0 : i32
    %dma_start3A_16 = arith.constant 0 : i32
    %dma_start3A_17 = tpu.memref_slice %arg4[%dma_start3A_15, %dma_start3A_16] : memref<20000x64xf32, #tpu.memory_space<hbm>> -> memref<20000x64xf32, #tpu.memory_space<hbm>>
    tpu.enqueue_indirect_dma source(%dma_start3A_17 : memref<20000x64xf32, #tpu.memory_space<hbm>>) target(%arg8 : memref<128x64xf32, #tpu.memory_space<vmem>>) offsets(%dma_start3A_14 : memref<128xi32, #tpu.memory_space<vmem>>) semaphore(%arg11 : memref<!tpu.dma_semaphore, #tpu.memory_space<semaphore_mem>>)
    %scan3A_18 = arith.constant 0 : i32
    %scan3A_19 = arith.constant 79 : i32
    %scan3A_20 = arith.addi %scan3A_18, %scan3A_19 : i32
    %scan3A_21 = arith.constant 1 : i32
    scf.for %scan3A_30 = %scan3A_18 to %scan3A_20 step %scan3A_21  : i32 {
      %mul3A_31 = arith.constant 2 : i32
      %mul3A_32 = arith.muli %scan3A_30, %mul3A_31 : i32
      %add3A_33 = arith.constant 0 : i32
      %add3A_34 = arith.addi %add3A_33, %mul3A_32 : i32
      %add3A_35 = arith.constant 1 : i32
      %add3A_36 = arith.addi %add3A_34, %add3A_35 : i32
      %dma_start3A_37 = arith.constant 0 : i32
      %dma_start3A_38 = tpu.memref_slice %arg6[%add3A_36, %dma_start3A_37] : memref<158x128xi32, #tpu.memory_space<vmem>> -> memref<1x128xi32, #tpu.memory_space<vmem>>
      %dma_start3A_39 = tpu.memref_squeeze %dma_start3A_38 : memref<1x128xi32, #tpu.memory_space<vmem>> -> memref<128xi32, #tpu.memory_space<vmem>>
      %dma_start3A_40 = arith.constant 0 : i32
      %dma_start3A_41 = arith.constant 0 : i32
      %dma_start3A_42 = tpu.memref_slice %arg4[%dma_start3A_40, %dma_start3A_41] : memref<20000x64xf32, #tpu.memory_space<hbm>> -> memref<20000x64xf32, #tpu.memory_space<hbm>>
      tpu.enqueue_indirect_dma source(%dma_start3A_42 : memref<20000x64xf32, #tpu.memory_space<hbm>>) target(%arg9 : memref<128x64xf32, #tpu.memory_space<vmem>>) offsets(%dma_start3A_39 : memref<128xi32, #tpu.memory_space<vmem>>) semaphore(%arg12 : memref<!tpu.dma_semaphore, #tpu.memory_space<semaphore_mem>>)
      %dma_wait3A_43 = arith.constant 0 : i32
      %dma_wait3A_44 = tpu.memref_slice %arg6[%add3A_34, %dma_wait3A_43] : memref<158x128xi32, #tpu.memory_space<vmem>> -> memref<1x128xi32, #tpu.memory_space<vmem>>
      %dma_wait3A_45 = tpu.memref_squeeze %dma_wait3A_44 : memref<1x128xi32, #tpu.memory_space<vmem>> -> memref<128xi32, #tpu.memory_space<vmem>>
      %dma_wait3A_46 = arith.constant 0 : i32
      %dma_wait3A_47 = arith.constant 0 : i32
      %dma_wait3A_48 = tpu.memref_slice %arg4[%dma_wait3A_46, %dma_wait3A_47] : memref<20000x64xf32, #tpu.memory_space<hbm>> -> memref<20000x64xf32, #tpu.memory_space<hbm>>
      tpu.wait_indirect_dma semaphore(%arg11 : memref<!tpu.dma_semaphore, #tpu.memory_space<semaphore_mem>>) src(%dma_wait3A_48 : memref<20000x64xf32, #tpu.memory_space<hbm>>) dst(%arg8 : memref<128x64xf32, #tpu.memory_space<vmem>>)
      "tpu.region"() ({
        %run_scoped3A = tpu.sem_alloc : memref<!tpu.dma_semaphore, #tpu.memory_space<semaphore_mem>>
        %dma_start3A_68 = arith.constant 0 : i32
        %dma_start3A_69 = tpu.memref_slice %arg7[%add3A_34, %dma_start3A_68] : memref<158x128xi32, #tpu.memory_space<vmem>> -> memref<1x128xi32, #tpu.memory_space<vmem>>
        %dma_start3A_70 = tpu.memref_squeeze %dma_start3A_69 : memref<1x128xi32, #tpu.memory_space<vmem>> -> memref<128xi32, #tpu.memory_space<vmem>>
        %dma_start3A_71 = arith.constant 0 : i32
        %dma_start3A_72 = arith.constant 0 : i32
        %dma_start3A_73 = tpu.memref_slice %arg13[%dma_start3A_71, %dma_start3A_72] : memref<10240x64xf32, #tpu.memory_space<vmem_shared>> -> memref<10240x64xf32, #tpu.memory_space<vmem_shared>>
        tpu.enqueue_indirect_dma source(%arg8 : memref<128x64xf32, #tpu.memory_space<vmem>>) target(%dma_start3A_73 : memref<10240x64xf32, #tpu.memory_space<vmem_shared>>) offsets(%dma_start3A_70 : memref<128xi32, #tpu.memory_space<vmem>>) semaphore(%run_scoped3A : memref<!tpu.dma_semaphore, #tpu.memory_space<semaphore_mem>>) {add = true}
        %dma_wait3A_74 = arith.constant 0 : i32
        %dma_wait3A_75 = tpu.memref_slice %arg7[%add3A_34, %dma_wait3A_74] : memref<158x128xi32, #tpu.memory_space<vmem>> -> memref<1x128xi32, #tpu.memory_space<vmem>>
        %dma_wait3A_76 = tpu.memref_squeeze %dma_wait3A_75 : memref<1x128xi32, #tpu.memory_space<vmem>> -> memref<128xi32, #tpu.memory_space<vmem>>
        %dma_wait3A_77 = arith.constant 0 : i32
        %dma_wait3A_78 = arith.constant 0 : i32
        %dma_wait3A_79 = tpu.memref_slice %arg13[%dma_wait3A_77, %dma_wait3A_78] : memref<10240x64xf32, #tpu.memory_space<vmem_shared>> -> memref<10240x64xf32, #tpu.memory_space<vmem_shared>>
        tpu.wait_indirect_dma semaphore(%run_scoped3A : memref<!tpu.dma_semaphore, #tpu.memory_space<semaphore_mem>>) src(%arg8 : memref<128x64xf32, #tpu.memory_space<vmem>>) dst(%dma_wait3A_79 : memref<10240x64xf32, #tpu.memory_space<vmem_shared>>)
        tpu.yield
      }) : () -> ()
      %add3A_49 = arith.constant 2 : i32
      %add3A_50 = arith.addi %add3A_34, %add3A_49 : i32
      %min3A = arith.constant 157 : i32
      %min3A_51 = arith.minsi %add3A_50, %min3A : i32
      %dma_start3A_52 = arith.constant 0 : i32
      %dma_start3A_53 = tpu.memref_slice %arg6[%min3A_51, %dma_start3A_52] : memref<158x128xi32, #tpu.memory_space<vmem>> -> memref<1x128xi32, #tpu.memory_space<vmem>>
      %dma_start3A_54 = tpu.memref_squeeze %dma_start3A_53 : memref<1x128xi32, #tpu.memory_space<vmem>> -> memref<128xi32, #tpu.memory_space<vmem>>
      %dma_start3A_55 = arith.constant 0 : i32
      %dma_start3A_56 = arith.constant 0 : i32
      %dma_start3A_57 = tpu.memref_slice %arg4[%dma_start3A_55, %dma_start3A_56] : memref<20000x64xf32, #tpu.memory_space<hbm>> -> memref<20000x64xf32, #tpu.memory_space<hbm>>
      tpu.enqueue_indirect_dma source(%dma_start3A_57 : memref<20000x64xf32, #tpu.memory_space<hbm>>) target(%arg8 : memref<128x64xf32, #tpu.memory_space<vmem>>) offsets(%dma_start3A_54 : memref<128xi32, #tpu.memory_space<vmem>>) semaphore(%arg11 : memref<!tpu.dma_semaphore, #tpu.memory_space<semaphore_mem>>)
      %add3A_58 = arith.constant 1 : i32
      %add3A_59 = arith.addi %add3A_34, %add3A_58 : i32
      %dma_wait3A_60 = arith.constant 0 : i32
      %dma_wait3A_61 = tpu.memref_slice %arg6[%add3A_59, %dma_wait3A_60] : memref<158x128xi32, #tpu.memory_space<vmem>> -> memref<1x128xi32, #tpu.memory_space<vmem>>
      %dma_wait3A_62 = tpu.memref_squeeze %dma_wait3A_61 : memref<1x128xi32, #tpu.memory_space<vmem>> -> memref<128xi32, #tpu.memory_space<vmem>>
      %dma_wait3A_63 = arith.constant 0 : i32
      %dma_wait3A_64 = arith.constant 0 : i32
      %dma_wait3A_65 = tpu.memref_slice %arg4[%dma_wait3A_63, %dma_wait3A_64] : memref<20000x64xf32, #tpu.memory_space<hbm>> -> memref<20000x64xf32, #tpu.memory_space<hbm>>
      tpu.wait_indirect_dma semaphore(%arg12 : memref<!tpu.dma_semaphore, #tpu.memory_space<semaphore_mem>>) src(%dma_wait3A_65 : memref<20000x64xf32, #tpu.memory_space<hbm>>) dst(%arg9 : memref<128x64xf32, #tpu.memory_space<vmem>>)
      %add3A_66 = arith.constant 1 : i32
      %add3A_67 = arith.addi %add3A_34, %add3A_66 : i32
      "tpu.region"() ({
        %run_scoped3A = tpu.sem_alloc : memref<!tpu.dma_semaphore, #tpu.memory_space<semaphore_mem>>
        %dma_start3A_68 = arith.constant 0 : i32
        %dma_start3A_69 = tpu.memref_slice %arg7[%add3A_67, %dma_start3A_68] : memref<158x128xi32, #tpu.memory_space<vmem>> -> memref<1x128xi32, #tpu.memory_space<vmem>>
        %dma_start3A_70 = tpu.memref_squeeze %dma_start3A_69 : memref<1x128xi32, #tpu.memory_space<vmem>> -> memref<128xi32, #tpu.memory_space<vmem>>
        %dma_start3A_71 = arith.constant 0 : i32
        %dma_start3A_72 = arith.constant 0 : i32
        %dma_start3A_73 = tpu.memref_slice %arg13[%dma_start3A_71, %dma_start3A_72] : memref<10240x64xf32, #tpu.memory_space<vmem_shared>> -> memref<10240x64xf32, #tpu.memory_space<vmem_shared>>
        tpu.enqueue_indirect_dma source(%arg9 : memref<128x64xf32, #tpu.memory_space<vmem>>) target(%dma_start3A_73 : memref<10240x64xf32, #tpu.memory_space<vmem_shared>>) offsets(%dma_start3A_70 : memref<128xi32, #tpu.memory_space<vmem>>) semaphore(%run_scoped3A : memref<!tpu.dma_semaphore, #tpu.memory_space<semaphore_mem>>) {add = true}
        %dma_wait3A_74 = arith.constant 0 : i32
        %dma_wait3A_75 = tpu.memref_slice %arg7[%add3A_67, %dma_wait3A_74] : memref<158x128xi32, #tpu.memory_space<vmem>> -> memref<1x128xi32, #tpu.memory_space<vmem>>
        %dma_wait3A_76 = tpu.memref_squeeze %dma_wait3A_75 : memref<1x128xi32, #tpu.memory_space<vmem>> -> memref<128xi32, #tpu.memory_space<vmem>>
        %dma_wait3A_77 = arith.constant 0 : i32
        %dma_wait3A_78 = arith.constant 0 : i32
        %dma_wait3A_79 = tpu.memref_slice %arg13[%dma_wait3A_77, %dma_wait3A_78] : memref<10240x64xf32, #tpu.memory_space<vmem_shared>> -> memref<10240x64xf32, #tpu.memory_space<vmem_shared>>
        tpu.wait_indirect_dma semaphore(%run_scoped3A : memref<!tpu.dma_semaphore, #tpu.memory_space<semaphore_mem>>) src(%arg9 : memref<128x64xf32, #tpu.memory_space<vmem>>) dst(%dma_wait3A_79 : memref<10240x64xf32, #tpu.memory_space<vmem_shared>>)
        tpu.yield
      }) : () -> ()
    }
    %scan3A_22 = arith.constant 79 : i32
    %dma_wait3A = arith.constant 157 : i32
    %dma_wait3A_23 = arith.constant 0 : i32
    %dma_wait3A_24 = tpu.memref_slice %arg6[%dma_wait3A, %dma_wait3A_23] : memref<158x128xi32, #tpu.memory_space<vmem>> -> memref<1x128xi32, #tpu.memory_space<vmem>>
    %dma_wait3A_25 = tpu.memref_squeeze %dma_wait3A_24 : memref<1x128xi32, #tpu.memory_space<vmem>> -> memref<128xi32, #tpu.memory_space<vmem>>
    %dma_wait3A_26 = arith.constant 0 : i32
    %dma_wait3A_27 = arith.constant 0 : i32
    %dma_wait3A_28 = tpu.memref_slice %arg4[%dma_wait3A_26, %dma_wait3A_27] : memref<20000x64xf32, #tpu.memory_space<hbm>> -> memref<20000x64xf32, #tpu.memory_space<hbm>>
    tpu.wait_indirect_dma semaphore(%arg11 : memref<!tpu.dma_semaphore, #tpu.memory_space<semaphore_mem>>) src(%dma_wait3A_28 : memref<20000x64xf32, #tpu.memory_space<hbm>>) dst(%arg8 : memref<128x64xf32, #tpu.memory_space<vmem>>)
    %barrier3A_29 = arith.constant 0 : index
    tpu.barrier barrier_id(%barrier3A_29)
    "tpu.region"() ({
      %run_scoped3A = tpu.sem_alloc : memref<!tpu.dma_semaphore, #tpu.memory_space<semaphore_mem>>
      %dma_start3A_30 = arith.constant 0 : i32
      %dma_start3A_31 = arith.constant 0 : i32
      %dma_start3A_32 = tpu.memref_slice %arg5[%arg0, %dma_start3A_30, %dma_start3A_31] : memref<2x10240x64xf32, #tpu.memory_space<hbm>> -> memref<1x10240x64xf32, #tpu.memory_space<hbm>>
      %dma_start3A_33 = tpu.memref_squeeze %dma_start3A_32 : memref<1x10240x64xf32, #tpu.memory_space<hbm>> -> memref<10240x64xf32, #tpu.memory_space<hbm>>
      %dma_start3A_34 = arith.constant 0 : i32
      %dma_start3A_35 = tpu.memref_slice %dma_start3A_33[%mul3A_2, %dma_start3A_34] : memref<10240x64xf32, #tpu.memory_space<hbm>> -> memref<640x64xf32, #tpu.memory_space<hbm>>
      %dma_start3A_36 = arith.constant 0 : i32
      %dma_start3A_37 = tpu.memref_slice %arg13[%mul3A_2, %dma_start3A_36] : memref<10240x64xf32, #tpu.memory_space<vmem_shared>> -> memref<640x64xf32, #tpu.memory_space<vmem_shared>>
      tpu.enqueue_dma source(%dma_start3A_37 : memref<640x64xf32, #tpu.memory_space<vmem_shared>>) target(%dma_start3A_35 : memref<640x64xf32, #tpu.memory_space<hbm>>) target_semaphore(%run_scoped3A : memref<!tpu.dma_semaphore, #tpu.memory_space<semaphore_mem>>)
      %dma_wait3A_38 = arith.constant 0 : i32
      %dma_wait3A_39 = arith.constant 0 : i32
      %dma_wait3A_40 = tpu.memref_slice %arg5[%arg0, %dma_wait3A_38, %dma_wait3A_39] : memref<2x10240x64xf32, #tpu.memory_space<hbm>> -> memref<1x10240x64xf32, #tpu.memory_space<hbm>>
      %dma_wait3A_41 = tpu.memref_squeeze %dma_wait3A_40 : memref<1x10240x64xf32, #tpu.memory_space<hbm>> -> memref<10240x64xf32, #tpu.memory_space<hbm>>
      %dma_wait3A_42 = arith.constant 0 : i32
      %dma_wait3A_43 = tpu.memref_slice %dma_wait3A_41[%mul3A_2, %dma_wait3A_42] : memref<10240x64xf32, #tpu.memory_space<hbm>> -> memref<640x64xf32, #tpu.memory_space<hbm>>
      %dma_wait3A_44 = arith.constant 0 : i32
      %dma_wait3A_45 = tpu.memref_slice %arg13[%mul3A_2, %dma_wait3A_44] : memref<10240x64xf32, #tpu.memory_space<vmem_shared>> -> memref<640x64xf32, #tpu.memory_space<vmem_shared>>
      tpu.wait_dma2 semaphore(%run_scoped3A : memref<!tpu.dma_semaphore, #tpu.memory_space<semaphore_mem>>) src(%dma_wait3A_45 : memref<640x64xf32, #tpu.memory_space<vmem_shared>>) dst(%dma_wait3A_43 : memref<640x64xf32, #tpu.memory_space<hbm>>)
      tpu.yield
    }) : () -> ()
    return
  }
}

module attributes {stable_mosaic.version = 14 : i64} {
  func.func @_mm2_body(%arg0: i32, %arg1: memref<1000x128xf32, #tpu.memory_space<vmem>>, %arg2: memref<128x128xf32, #tpu.memory_space<vmem>>, %arg3: memref<128x128xf32, #tpu.memory_space<vmem>>, %arg4: memref<1000x128xf32, #tpu.memory_space<vmem>>, %arg5: memref<2x1000x64xf32, #tpu.memory_space<vmem>>) attributes {dimension_semantics = [#tpu.dimension_semantics<arbitrary>], iteration_bounds = array<i64: 10>, scalar_prefetch = 0 : i64, scratch_operands = 0 : i64, tpu.core_type = #tpu.core_type<tc>, window_params = [{transform_indices = @transform_0, window_bounds = array<i64: 1000, 128>}, {pipeline_mode = #tpu.pipeline_mode<synchronous>, transform_indices = @transform_1, window_bounds = array<i64: 128, 128>}, {pipeline_mode = #tpu.pipeline_mode<synchronous>, transform_indices = @transform_2, window_bounds = array<i64: 128, 128>}, {transform_indices = @transform_3, window_bounds = array<i64: 1000, 128>}, {transform_indices = @transform_4, window_bounds = array<i64: 2, 1000, 64>}]} {
    %get3A = arith.constant 0 : index
    %get3A_0 = arith.constant 0 : index
    %get3A_1 = vector.load %arg1[%get3A, %get3A_0] : memref<1000x128xf32, #tpu.memory_space<vmem>>, vector<1000x128xf32>
    %get3A_2 = arith.constant 0 : index
    %get3A_3 = arith.constant 0 : index
    %get3A_4 = vector.load %arg2[%get3A_2, %get3A_3] : memref<128x128xf32, #tpu.memory_space<vmem>>, vector<128x128xf32>
    %dot_general3A = arith.constant dense<0.000000e+00> : vector<1000x128xf32>
    %dot_general3A_5 = tpu.matmul %get3A_1, %get3A_4, %dot_general3A {dimension_numbers = #tpu.dot_dimension_numbers<[1], [0], [0], [1], [0, 0, 1, 1], [], []>, transpose_lhs_hint = false} : vector<1000x128xf32>, vector<128x128xf32>, vector<1000x128xf32> -> vector<1000x128xf32>
    %swap3A = arith.constant 0 : index
    %swap3A_6 = arith.constant 0 : index
    %swap3A_7 = vector.load %arg4[%swap3A, %swap3A_6] : memref<1000x128xf32, #tpu.memory_space<vmem>>, vector<1000x128xf32>
    tpu.vector_store %arg4[%swap3A, %swap3A_6], %dot_general3A_5 {strides = array<i32>} : memref<1000x128xf32, #tpu.memory_space<vmem>>, vector<1000x128xf32>,
    %get3A_8 = arith.constant 0 : index
    %get3A_9 = arith.constant 0 : index
    %get3A_10 = vector.load %arg3[%get3A_8, %get3A_9] : memref<128x128xf32, #tpu.memory_space<vmem>>, vector<128x128xf32>
    %dot_general3A_11 = arith.constant dense<0.000000e+00> : vector<1000x128xf32>
    %dot_general3A_12 = tpu.matmul %get3A_1, %get3A_10, %dot_general3A_11 {dimension_numbers = #tpu.dot_dimension_numbers<[1], [0], [0], [1], [0, 0, 1, 1], [], []>, transpose_lhs_hint = false} : vector<1000x128xf32>, vector<128x128xf32>, vector<1000x128xf32> -> vector<1000x128xf32>
    %slice3A = vector.extract_strided_slice %dot_general3A_12 {offsets = [0, 0], sizes = [1000, 64], strides = [1, 1]} : vector<1000x128xf32> to vector<1000x64xf32>
    %swap3A_13 = arith.constant 0 : index
    %swap3A_14 = arith.constant 0 : index
    %swap3A_15 = arith.constant 0 : index
    %swap3A_16 = vector.load %arg5[%swap3A_13, %swap3A_14, %swap3A_15] : memref<2x1000x64xf32, #tpu.memory_space<vmem>>, vector<1x1000x64xf32>
    %swap3A_17 = vector.shape_cast %swap3A_16 : vector<1x1000x64xf32> to vector<1000x64xf32>
    %swap3A_18 = vector.shape_cast %slice3A : vector<1000x64xf32> to vector<1x1000x64xf32>
    tpu.vector_store %arg5[%swap3A_13, %swap3A_14, %swap3A_15], %swap3A_18 {strides = array<i32>} : memref<2x1000x64xf32, #tpu.memory_space<vmem>>, vector<1x1000x64xf32>,
    %slice3A_19 = vector.extract_strided_slice %dot_general3A_12 {offsets = [0, 64], sizes = [1000, 64], strides = [1, 1]} : vector<1000x128xf32> to vector<1000x64xf32>
    %swap3A_20 = arith.constant 1 : index
    %swap3A_21 = arith.constant 0 : index
    %swap3A_22 = arith.constant 0 : index
    %swap3A_23 = vector.load %arg5[%swap3A_20, %swap3A_21, %swap3A_22] : memref<2x1000x64xf32, #tpu.memory_space<vmem>>, vector<1x1000x64xf32>
    %swap3A_24 = vector.shape_cast %swap3A_23 : vector<1x1000x64xf32> to vector<1000x64xf32>
    %swap3A_25 = vector.shape_cast %slice3A_19 : vector<1000x64xf32> to vector<1x1000x64xf32>
    tpu.vector_store %arg5[%swap3A_20, %swap3A_21, %swap3A_22], %swap3A_25 {strides = array<i32>} : memref<2x1000x64xf32, #tpu.memory_space<vmem>>, vector<1x1000x64xf32>,
    return
  }
  func.func @transform_0(%arg0: i32) -> (i32, i32) {
    %c0_i32 = arith.constant 0 : i32
    %c0_i32_0 = arith.constant 0 : i32
    return %arg0, %c0_i32 : i32, i32
  }
  func.func @transform_1(%arg0: i32) -> (i32, i32) {
    %c0_i32 = arith.constant 0 : i32
    %c0_i32_0 = arith.constant 0 : i32
    %c0_i32_1 = arith.constant 0 : i32
    return %c0_i32, %c0_i32_0 : i32, i32
  }
  func.func @transform_2(%arg0: i32) -> (i32, i32) {
    %c0_i32 = arith.constant 0 : i32
    %c0_i32_0 = arith.constant 0 : i32
    %c0_i32_1 = arith.constant 0 : i32
    return %c0_i32, %c0_i32_0 : i32, i32
  }
  func.func @transform_3(%arg0: i32) -> (i32, i32) {
    %c0_i32 = arith.constant 0 : i32
    %c0_i32_0 = arith.constant 0 : i32
    return %arg0, %c0_i32 : i32, i32
  }
  func.func @transform_4(%arg0: i32) -> (i32, i32, i32) {
    %c0_i32 = arith.constant 0 : i32
    %c0_i32_0 = arith.constant 0 : i32
    %c0_i32_1 = arith.constant 0 : i32
    return %c0_i32, %arg0, %c0_i32_0 : i32, i32, i32
  }
}

module attributes {stable_mosaic.version = 14 : i64} {
  func.func @_combine_mm_body(%arg0: i32, %arg1: memref<1000x128xf32, #tpu.memory_space<vmem>>, %arg2: memref<1000x64xf32, #tpu.memory_space<vmem>>, %arg3: memref<1000x64xf32, #tpu.memory_space<vmem>>, %arg4: memref<1000x16xf32, #tpu.memory_space<vmem>>, %arg5: memref<1x128xf32, #tpu.memory_space<vmem>>, %arg6: memref<128x128xf32, #tpu.memory_space<vmem>>, %arg7: memref<128x128xf32, #tpu.memory_space<vmem>>, %arg8: memref<1000x128xf32, #tpu.memory_space<vmem>>, %arg9: memref<2x1000x64xf32, #tpu.memory_space<vmem>>) attributes {dimension_semantics = [#tpu.dimension_semantics<arbitrary>], iteration_bounds = array<i64: 10>, scalar_prefetch = 0 : i64, scratch_operands = 0 : i64, tpu.core_type = #tpu.core_type<tc>, window_params = [{transform_indices = @transform_0, window_bounds = array<i64: 1000, 128>}, {transform_indices = @transform_1, window_bounds = array<i64: 1000, 64>}, {transform_indices = @transform_2, window_bounds = array<i64: 1000, 64>}, {transform_indices = @transform_3, window_bounds = array<i64: 1000, 16>}, {pipeline_mode = #tpu.pipeline_mode<synchronous>, transform_indices = @transform_4, window_bounds = array<i64: 1, 128>}, {pipeline_mode = #tpu.pipeline_mode<synchronous>, transform_indices = @transform_5, window_bounds = array<i64: 128, 128>}, {pipeline_mode = #tpu.pipeline_mode<synchronous>, transform_indices = @transform_6, window_bounds = array<i64: 128, 128>}, {transform_indices = @transform_7, window_bounds = array<i64: 1000, 128>}, {transform_indices = @transform_8, window_bounds = array<i64: 2, 1000, 64>}]} {
    %get3A = arith.constant 0 : index
    %get3A_0 = arith.constant 0 : index
    %get3A_1 = vector.load %arg4[%get3A, %get3A_0] : memref<1000x16xf32, #tpu.memory_space<vmem>>, vector<1000x1xf32>
    %max3A = arith.constant 1.000000e+00 : f32
    %max3A_2 = vector.broadcast %max3A : f32 to vector<1000x1xf32>
    %max3A_3 = arith.maximumf %get3A_1, %max3A_2 : vector<1000x1xf32>
    %get3A_4 = arith.constant 0 : index
    %get3A_5 = arith.constant 0 : index
    %get3A_6 = vector.load %arg2[%get3A_4, %get3A_5] : memref<1000x64xf32, #tpu.memory_space<vmem>>, vector<1000x64xf32>
    %get3A_7 = arith.constant 0 : index
    %get3A_8 = arith.constant 0 : index
    %get3A_9 = vector.load %arg3[%get3A_7, %get3A_8] : memref<1000x64xf32, #tpu.memory_space<vmem>>, vector<1000x64xf32>
    %concatenate3A = tpu.concatenate %get3A_6, %get3A_9 in 1 : vector<1000x64xf32>, vector<1000x64xf32> -> vector<1000x128xf32>
    %get3A_10 = arith.constant 0 : index
    %get3A_11 = arith.constant 0 : index
    %get3A_12 = vector.load %arg1[%get3A_10, %get3A_11] : memref<1000x128xf32, #tpu.memory_space<vmem>>, vector<1000x128xf32>
    %get3A_13 = arith.constant 0 : index
    %get3A_14 = arith.constant 0 : index
    %get3A_15 = vector.load %arg5[%get3A_13, %get3A_14] : memref<1x128xf32, #tpu.memory_space<vmem>>, vector<1x128xf32>
    %add3A = vector.broadcast %get3A_15 : vector<1x128xf32> to vector<1000x128xf32>
    %add3A_16 = arith.addf %get3A_12, %add3A : vector<1000x128xf32>
    %div3A = vector.broadcast %max3A_3 : vector<1000x1xf32> to vector<1000x128xf32>
    %div3A_17 = arith.divf %concatenate3A, %div3A : vector<1000x128xf32>
    %add3A_18 = arith.addf %add3A_16, %div3A_17 : vector<1000x128xf32>
    %max3A_19 = arith.constant 0.000000e+00 : f32
    %max3A_20 = vector.broadcast %max3A_19 : f32 to vector<1000x128xf32>
    %max3A_21 = arith.maximumf %add3A_18, %max3A_20 : vector<1000x128xf32>
    %get3A_22 = arith.constant 0 : index
    %get3A_23 = arith.constant 0 : index
    %get3A_24 = vector.load %arg6[%get3A_22, %get3A_23] : memref<128x128xf32, #tpu.memory_space<vmem>>, vector<128x128xf32>
    %dot_general3A = arith.constant dense<0.000000e+00> : vector<1000x128xf32>
    %dot_general3A_25 = tpu.matmul %max3A_21, %get3A_24, %dot_general3A {dimension_numbers = #tpu.dot_dimension_numbers<[1], [0], [0], [1], [0, 0, 1, 1], [], []>, transpose_lhs_hint = false} : vector<1000x128xf32>, vector<128x128xf32>, vector<1000x128xf32> -> vector<1000x128xf32>
    %swap3A = arith.constant 0 : index
    %swap3A_26 = arith.constant 0 : index
    %swap3A_27 = vector.load %arg8[%swap3A, %swap3A_26] : memref<1000x128xf32, #tpu.memory_space<vmem>>, vector<1000x128xf32>
    tpu.vector_store %arg8[%swap3A, %swap3A_26], %dot_general3A_25 {strides = array<i32>} : memref<1000x128xf32, #tpu.memory_space<vmem>>, vector<1000x128xf32>,
    %get3A_28 = arith.constant 0 : index
    %get3A_29 = arith.constant 0 : index
    %get3A_30 = vector.load %arg7[%get3A_28, %get3A_29] : memref<128x128xf32, #tpu.memory_space<vmem>>, vector<128x128xf32>
    %dot_general3A_31 = arith.constant dense<0.000000e+00> : vector<1000x128xf32>
    %dot_general3A_32 = tpu.matmul %max3A_21, %get3A_30, %dot_general3A_31 {dimension_numbers = #tpu.dot_dimension_numbers<[1], [0], [0], [1], [0, 0, 1, 1], [], []>, transpose_lhs_hint = false} : vector<1000x128xf32>, vector<128x128xf32>, vector<1000x128xf32> -> vector<1000x128xf32>
    %slice3A = vector.extract_strided_slice %dot_general3A_32 {offsets = [0, 0], sizes = [1000, 64], strides = [1, 1]} : vector<1000x128xf32> to vector<1000x64xf32>
    %swap3A_33 = arith.constant 0 : index
    %swap3A_34 = arith.constant 0 : index
    %swap3A_35 = arith.constant 0 : index
    %swap3A_36 = vector.load %arg9[%swap3A_33, %swap3A_34, %swap3A_35] : memref<2x1000x64xf32, #tpu.memory_space<vmem>>, vector<1x1000x64xf32>
    %swap3A_37 = vector.shape_cast %swap3A_36 : vector<1x1000x64xf32> to vector<1000x64xf32>
    %swap3A_38 = vector.shape_cast %slice3A : vector<1000x64xf32> to vector<1x1000x64xf32>
    tpu.vector_store %arg9[%swap3A_33, %swap3A_34, %swap3A_35], %swap3A_38 {strides = array<i32>} : memref<2x1000x64xf32, #tpu.memory_space<vmem>>, vector<1x1000x64xf32>,
    %slice3A_39 = vector.extract_strided_slice %dot_general3A_32 {offsets = [0, 64], sizes = [1000, 64], strides = [1, 1]} : vector<1000x128xf32> to vector<1000x64xf32>
    %swap3A_40 = arith.constant 1 : index
    %swap3A_41 = arith.constant 0 : index
    %swap3A_42 = arith.constant 0 : index
    %swap3A_43 = vector.load %arg9[%swap3A_40, %swap3A_41, %swap3A_42] : memref<2x1000x64xf32, #tpu.memory_space<vmem>>, vector<1x1000x64xf32>
    %swap3A_44 = vector.shape_cast %swap3A_43 : vector<1x1000x64xf32> to vector<1000x64xf32>
    %swap3A_45 = vector.shape_cast %slice3A_39 : vector<1000x64xf32> to vector<1x1000x64xf32>
    tpu.vector_store %arg9[%swap3A_40, %swap3A_41, %swap3A_42], %swap3A_45 {strides = array<i32>} : memref<2x1000x64xf32, #tpu.memory_space<vmem>>, vector<1x1000x64xf32>,
    return
  }
  func.func @transform_0(%arg0: i32) -> (i32, i32) {
    %c0_i32 = arith.constant 0 : i32
    %c0_i32_0 = arith.constant 0 : i32
    return %arg0, %c0_i32 : i32, i32
  }
  func.func @transform_1(%arg0: i32) -> (i32, i32) {
    %c0_i32 = arith.constant 0 : i32
    %c0_i32_0 = arith.constant 0 : i32
    return %arg0, %c0_i32 : i32, i32
  }
  func.func @transform_2(%arg0: i32) -> (i32, i32) {
    %c0_i32 = arith.constant 0 : i32
    %c0_i32_0 = arith.constant 0 : i32
    return %arg0, %c0_i32 : i32, i32
  }
  func.func @transform_3(%arg0: i32) -> (i32, i32) {
    %c0_i32 = arith.constant 0 : i32
    %c0_i32_0 = arith.constant 0 : i32
    return %arg0, %c0_i32 : i32, i32
  }
  func.func @transform_4(%arg0: i32) -> (i32, i32) {
    %c0_i32 = arith.constant 0 : i32
    %c0_i32_0 = arith.constant 0 : i32
    %c0_i32_1 = arith.constant 0 : i32
    return %c0_i32, %c0_i32_0 : i32, i32
  }
  func.func @transform_5(%arg0: i32) -> (i32, i32) {
    %c0_i32 = arith.constant 0 : i32
    %c0_i32_0 = arith.constant 0 : i32
    %c0_i32_1 = arith.constant 0 : i32
    return %c0_i32, %c0_i32_0 : i32, i32
  }
  func.func @transform_6(%arg0: i32) -> (i32, i32) {
    %c0_i32 = arith.constant 0 : i32
    %c0_i32_0 = arith.constant 0 : i32
    %c0_i32_1 = arith.constant 0 : i32
    return %c0_i32, %c0_i32_0 : i32, i32
  }
  func.func @transform_7(%arg0: i32) -> (i32, i32) {
    %c0_i32 = arith.constant 0 : i32
    %c0_i32_0 = arith.constant 0 : i32
    return %arg0, %c0_i32 : i32, i32
  }
  func.func @transform_8(%arg0: i32) -> (i32, i32, i32) {
    %c0_i32 = arith.constant 0 : i32
    %c0_i32_0 = arith.constant 0 : i32
    %c0_i32_1 = arith.constant 0 : i32
    return %c0_i32, %arg0, %c0_i32_0 : i32, i32, i32
  }
}

module attributes {stable_mosaic.version = 14 : i64} {
  func.func @_final_body(%arg0: i32, %arg1: memref<1000x128xf32, #tpu.memory_space<vmem>>, %arg2: memref<1000x64xf32, #tpu.memory_space<vmem>>, %arg3: memref<1000x64xf32, #tpu.memory_space<vmem>>, %arg4: memref<1000x16xf32, #tpu.memory_space<vmem>>, %arg5: memref<1x128xf32, #tpu.memory_space<vmem>>, %arg6: memref<1000x128xf32, #tpu.memory_space<vmem>>) attributes {dimension_semantics = [#tpu.dimension_semantics<arbitrary>], iteration_bounds = array<i64: 10>, scalar_prefetch = 0 : i64, scratch_operands = 0 : i64, tpu.core_type = #tpu.core_type<tc>, window_params = [{transform_indices = @transform_0, window_bounds = array<i64: 1000, 128>}, {transform_indices = @transform_1, window_bounds = array<i64: 1000, 64>}, {transform_indices = @transform_2, window_bounds = array<i64: 1000, 64>}, {transform_indices = @transform_3, window_bounds = array<i64: 1000, 16>}, {pipeline_mode = #tpu.pipeline_mode<synchronous>, transform_indices = @transform_4, window_bounds = array<i64: 1, 128>}, {transform_indices = @transform_5, window_bounds = array<i64: 1000, 128>}]} {
    %get3A = arith.constant 0 : index
    %get3A_0 = arith.constant 0 : index
    %get3A_1 = vector.load %arg4[%get3A, %get3A_0] : memref<1000x16xf32, #tpu.memory_space<vmem>>, vector<1000x1xf32>
    %max3A = arith.constant 1.000000e+00 : f32
    %max3A_2 = vector.broadcast %max3A : f32 to vector<1000x1xf32>
    %max3A_3 = arith.maximumf %get3A_1, %max3A_2 : vector<1000x1xf32>
    %get3A_4 = arith.constant 0 : index
    %get3A_5 = arith.constant 0 : index
    %get3A_6 = vector.load %arg2[%get3A_4, %get3A_5] : memref<1000x64xf32, #tpu.memory_space<vmem>>, vector<1000x64xf32>
    %get3A_7 = arith.constant 0 : index
    %get3A_8 = arith.constant 0 : index
    %get3A_9 = vector.load %arg3[%get3A_7, %get3A_8] : memref<1000x64xf32, #tpu.memory_space<vmem>>, vector<1000x64xf32>
    %concatenate3A = tpu.concatenate %get3A_6, %get3A_9 in 1 : vector<1000x64xf32>, vector<1000x64xf32> -> vector<1000x128xf32>
    %get3A_10 = arith.constant 0 : index
    %get3A_11 = arith.constant 0 : index
    %get3A_12 = vector.load %arg1[%get3A_10, %get3A_11] : memref<1000x128xf32, #tpu.memory_space<vmem>>, vector<1000x128xf32>
    %get3A_13 = arith.constant 0 : index
    %get3A_14 = arith.constant 0 : index
    %get3A_15 = vector.load %arg5[%get3A_13, %get3A_14] : memref<1x128xf32, #tpu.memory_space<vmem>>, vector<1x128xf32>
    %add3A = vector.broadcast %get3A_15 : vector<1x128xf32> to vector<1000x128xf32>
    %add3A_16 = arith.addf %get3A_12, %add3A : vector<1000x128xf32>
    %div3A = vector.broadcast %max3A_3 : vector<1000x1xf32> to vector<1000x128xf32>
    %div3A_17 = arith.divf %concatenate3A, %div3A : vector<1000x128xf32>
    %add3A_18 = arith.addf %add3A_16, %div3A_17 : vector<1000x128xf32>
    %swap3A = arith.constant 0 : index
    %swap3A_19 = arith.constant 0 : index
    %swap3A_20 = vector.load %arg6[%swap3A, %swap3A_19] : memref<1000x128xf32, #tpu.memory_space<vmem>>, vector<1000x128xf32>
    tpu.vector_store %arg6[%swap3A, %swap3A_19], %add3A_18 {strides = array<i32>} : memref<1000x128xf32, #tpu.memory_space<vmem>>, vector<1000x128xf32>,
    return
  }
  func.func @transform_0(%arg0: i32) -> (i32, i32) {
    %c0_i32 = arith.constant 0 : i32
    %c0_i32_0 = arith.constant 0 : i32
    return %arg0, %c0_i32 : i32, i32
  }
  func.func @transform_1(%arg0: i32) -> (i32, i32) {
    %c0_i32 = arith.constant 0 : i32
    %c0_i32_0 = arith.constant 0 : i32
    return %arg0, %c0_i32 : i32, i32
  }
  func.func @transform_2(%arg0: i32) -> (i32, i32) {
    %c0_i32 = arith.constant 0 : i32
    %c0_i32_0 = arith.constant 0 : i32
    return %arg0, %c0_i32 : i32, i32
  }
  func.func @transform_3(%arg0: i32) -> (i32, i32) {
    %c0_i32 = arith.constant 0 : i32
    %c0_i32_0 = arith.constant 0 : i32
    return %arg0, %c0_i32 : i32, i32
  }
  func.func @transform_4(%arg0: i32) -> (i32, i32) {
    %c0_i32 = arith.constant 0 : i32
    %c0_i32_0 = arith.constant 0 : i32
    %c0_i32_1 = arith.constant 0 : i32
    return %c0_i32, %c0_i32_0 : i32, i32
  }
  func.func @transform_5(%arg0: i32) -> (i32, i32) {
    %c0_i32 = arith.constant 0 : i32
    %c0_i32_0 = arith.constant 0 : i32
    return %arg0, %c0_i32 : i32, i32
  }
}

</mosaic_0001>

<sc_bundles>
// kernel: kernel.10.cloned.1.call-start
scs
__scs_entry_jumppad:
0x0: {  	(pc) =	sbr.rel $0x88, $3  }
0x1: {  	(tag) =	ssettag $0x0;
	lr =	simm.s32 $0x1  }
0x2: {  	[smem:$0x3F99] =	sst lr;
	_ =	strace $0xD0000000  }
0x3: {  	_ = 	snop  }
0x4: {  	_ = 	snop  }
0x5: {  	_ = 	snop  }
0x6: {  	_ = 	snop  }
0x7: {  	_ = 	snop  }
__scs_overlays_trampoline_lowered:
0x8: {  	[smem:$0x3FA8] =	sst s0  }
0x9: {  	[smem:$0x3FA9] =	sst s1  }
0xa: {  	[smem:$0x3FAA] =	sst s2  }
0xb: {  	[smem:$0x3FAB] =	sst s3  }
0xc: {  	[smem:$0x3FAC] =	sst s4  }
0xd: {  	[smem:$0x3FAD] =	sst s5  }
0xe: {  	[smem:$0x3FAE] =	sst s6  }
0xf: {  	[smem:$0x3FAF] =	sst s7  }
0x10: {  	[smem:$0x3FB0] =	sst s8  }
0x11: {  	[smem:$0x3FB1] =	sst s9;
	s0 =	simm.s32 @!p0 $0x0  }
0x12: {  	s1 =	sld [smem:$0x3F97];
	s0 =	simm.s32 @p0 $0x1  }
0x13: {  	[smem:$0x3FB2] =	sst s0;
	s0 =	simm.s32 @!p1 $0x0  }
0x14: {  	s2 =	sld [smem:$0x3F96];
	s0 =	simm.s32 @p1 $0x1  }
0x15: {  	[smem:$0x3FB3] =	sst s0;
	s0 =	simm.s32 @!p2 $0x0  }
0x16: {  	s3 =	sld [smem:$0x3FDB];
	s0 =	simm.s32 @p2 $0x1  }
0x17: {  	s4 =	simm.s32 $0x1BF5;
	[smem:$0x3FB5] =	sst s0  }
0x18: {  	s0 =	sld [smem:$0x3F98];
	_ =	swait.ge [sflag:s4], $0x0  }
0x19: {  	s7 =	sld [smem:$0x3F99]  }
0x1a: {  	s8 =	sadd.s32 $0xFFFFE003, lr  }
0x1b: {  	s9 =	sadd.s32 $0xFFFFFEF7, lr;
	s5 =	simm.s32 $0xFFFFFFFF;
	p2 =	slt.u32 s8, $0xFFFFF086  }
0x1c: {  	p1 =	slt.u32 s9, $0xF7A;
	s5 =	simm.s32 @!p2 $0x0  }
0x1d: {  	s5 =	simm.s32 @p1 $0x1;
	p0 =	seq.s32 s7, s2  }
0x1e: {  	s7 =	smul.u32 @!p0 $0xF7A, s2;
	p2 =	seq.s32 @!p0 s5, $0x0  }
0x1f: {  	s9 =	smul.u32 $0xF7A, s1;
	s8 =	simm.s32 @!p0 $0x1BF5;
	p2 =	por !p2, p0  }
0x20: {  	[sflag:s8] =	ssyncset.s32 @!p0 $0xFFFFF086;
	s6 =	sadd.s32 @!p0 s3, s7;
	s7 =	simm.s32 @!p0 $0x108  }
0x21: {  	s3 =	sadd.s32 s3, s9;
	s6 =	sadd.s32 @!p0 $0x88, s6;
	s7 =	simm.s32 @p2 $0x1082  }
0x22: {  	[simem:s7], [sflag:s8] =	dma.local @!p0 [hbm:s6], $0xF7A  }
0x23: {  	s9 =	sor.u32 $0xD0000000, s2;
	s6 =	simm.s32 $0x108;
	_ =	swait.ge @!p0 [sflag:s8], $0x0  }
0x24: {  	s3 =	sadd.s32 $0x88, s3;
	s6 =	simm.s32 @!p1 $0x1082;
	[sflag:s4] =	ssyncset.s32 $0xFFFFF086  }
0x25: {  	[simem:s6], [sflag:s4] =	dma.local [hbm:s3], $0xF7A  }
0x26: {  	[smem:$0x3F99] =	sst s1;
	(tag) =	ssettag s2;
	_ =	strace s9  }
0x27: {  	s1 =	sld [smem:$0x3FA9]  }
0x28: {  	s2 =	sld [smem:$0x3FAA]  }
0x29: {  	s4 =	sld [smem:$0x3FAC]  }
0x2a: {  	p0 =	seq.s32 s5, $0x0;
	s5 =	sld [smem:$0x3FAD]  }
0x2b: {  	s6 =	sld [smem:$0x3FAE]  }
0x2c: {  	s7 =	sld [smem:$0x3FAF]  }
0x2d: {  	s3 =	simm.s32 $0x108;
	s8 =	sld [smem:$0x3FB0]  }
0x2e: {  	s3 =	simm.s32 @!p0 $0x1082;
	s9 =	sld [smem:$0x3FB1]  }
0x2f: {  	lr =	sadd.s32 s0, s3;
	s0 =	sld [smem:$0x3FA8]  }
0x30: {  	s3 =	sld [smem:$0x3FAB]  }
0x31: {  	[smem:$0x3FB4] =	sst s10  }
0x32: {  	s10 =	sld [smem:$0x3FB2];
	_ =	sdelay $0x3  }
0x33: {  	p0 =	seq.s32 s10, $0x1;
	s10 =	sld [smem:$0x3FB4];
	_ =	sdelay $0x3  }
0x34: {  	[smem:$0x3FB4] =	sst s10  }
0x35: {  	s10 =	sld [smem:$0x3FB3];
	_ =	sdelay $0x3  }
0x36: {  	p1 =	seq.s32 s10, $0x1;
	s10 =	sld [smem:$0x3FB4];
	_ =	sdelay $0x3  }
0x37: {  	[smem:$0x3FB4] =	sst s10  }
0x38: {  	s10 =	sld [smem:$0x3FB5]  }
0x39: {  	_ = 	snop;
	(pc) =	sbr.ind lr, $3  }
0x3a: {  	_ = 	snop  }
0x3b: {  	_ = 	snop  }
0x3c: {  	p2 =	seq.s32 s10, $0x1;
	s10 =	sld [smem:$0x3FB4]  }
0x3d: {  	_ =	shalt  }
0x3e: {  	_ =	shalt  }
0x3f: {  	_ =	shalt  }
0x40: {  	_ =	shalt  }
0x41: {  	_ =	shalt  }
0x42: {  	_ =	shalt  }
0x43: {  	_ =	shalt  }
0x44: {  	_ =	shalt  }
0x45: {  	_ =	shalt  }
0x46: {  	_ =	shalt  }
0x47: {  	_ =	shalt  }
0x48: {  	_ =	shalt  }
0x49: {  	_ =	shalt  }
0x4a: {  	_ =	shalt  }
0x4b: {  	_ =	shalt  }
0x4c: {  	_ =	shalt  }
0x4d: {  	_ =	shalt  }
0x4e: {  	_ =	shalt  }
0x4f: {  	_ =	shalt  }
0x50: {  	_ =	shalt  }
0x51: {  	_ =	shalt  }
0x52: {  	_ =	shalt  }
0x53: {  	_ =	shalt  }
0x54: {  	_ =	shalt  }
0x55: {  	_ =	shalt  }
0x56: {  	_ =	shalt  }
0x57: {  	_ =	shalt  }
0x58: {  	_ =	shalt  }
0x59: {  	_ =	shalt  }
0x5a: {  	_ =	shalt  }
0x5b: {  	_ =	shalt  }
0x5c: {  	_ =	shalt  }
0x5d: {  	_ =	shalt  }
0x5e: {  	_ =	shalt  }
0x5f: {  	_ =	shalt  }
0x60: {  	_ =	shalt  }
0x61: {  	_ =	shalt  }
0x62: {  	_ =	shalt  }
0x63: {  	_ =	shalt  }
0x64: {  	_ =	shalt  }
0x65: {  	_ =	shalt  }
0x66: {  	_ =	shalt  }
0x67: {  	_ =	shalt  }
0x68: {  	_ =	shalt  }
0x69: {  	_ =	shalt  }
0x6a: {  	_ =	shalt  }
0x6b: {  	_ =	shalt  }
0x6c: {  	_ =	shalt  }
0x6d: {  	_ =	shalt  }
0x6e: {  	_ =	shalt  }
0x6f: {  	_ =	shalt  }
0x70: {  	_ =	shalt  }
0x71: {  	_ =	shalt  }
0x72: {  	_ =	shalt  }
0x73: {  	_ =	shalt  }
0x74: {  	_ =	shalt  }
0x75: {  	_ =	shalt  }
0x76: {  	_ =	shalt  }
0x77: {  	_ =	shalt  }
0x78: {  	_ =	shalt  }
0x79: {  	_ =	shalt  }
0x7a: {  	_ =	shalt  }
0x7b: {  	_ =	shalt  }
0x7c: {  	_ =	shalt  }
0x7d: {  	_ =	shalt  }
0x7e: {  	_ =	shalt  }
0x7f: {  	_ =	shalt  }
0x80: {  	_ =	shalt  }
0x81: {  	_ =	shalt  }
0x82: {  	_ =	shalt  }
0x83: {  	_ =	shalt  }
0x84: {  	_ =	shalt  }
0x85: {  	_ =	shalt  }
0x86: {  	_ =	shalt  }
0x87: {  	_ =	shalt  }
.Lfunc_end0:
.L_simem_size_0:
called_computation.1_lowered:
.L_overlay_start_0:
0x88: {  	s2 =	sld [smem:$0x3FD9]  }
0x89: {  	s3 =	sld [smem:$0x3FFE];
	_ =	sdelay $0x1  }
0x8a: {  	s1 =	srdreg.scid  }
0x8b: {  	s0 =	sand.u32 $0x1, s1  }
0x8c: {  	s17 =	sshll.u32 s0, $0xA;
	s2 =	sadd.s32 s3, s2  }
0x8d: {  	s2 =	sadd.s32 s2, s17  }
0x8e: {  	[smem:$0x3FC0] =	sst s2  }
0x8f: {  	_ = 	snop  }
0x90: {  	s2 =	sld [smem:$0x3FD0];
	(tm) =	ssettm $0x1  }
0x91: {  	s18 =	sld [smem:$0x3FFB];
	_ =	sdelay $0x3  }
0x92: {  	_ =	strace s18  }
0x93: {  	s3 =	sld [smem:$0x3FFC];
	_ =	sdelay $0x3  }
0x94: {  	_ =	strace s3  }
0x95: {  	s3 =	sld [smem:$0x3FFD];
	_ =	sdelay $0x3  }
0x96: {  	_ =	strace s3  }
0x97: {  	_ =	strace $0x8FFFFFFF  }
0x98: {  	s19 =	sld [smem:$0x3FDB];
	_ =	sdelay $0x1  }
0x99: {  	s4 =	simm.s32 $_scs_section_size  }
0x9a: {  	s5 =	simm.s32 $_size__tile_overlayer_lowered;
	s6 =	simm.s32 $_tile_overlayer_lowered  }
0x9b: {  	s22 =	simm.s32 $0x1BFF;
	s21 =	sshll.u32 s6, $0x1;
	s3 =	sadd.s32 s4, s19  }
0x9c: {  	s7 =	simm.s32 $0x0;
	s20 =	sshll.u32 s5, $0x1;
	s5 =	sadd.s32 s21, s3  }
0x9d: {  	[timem:s7], [sflag:s22] =	dma.local [hbm:s5], s20  }
0x9e: {  	_ =	swait.ge [sflag:s22], s20  }
0x9f: {  	s4 =	ssub.s32 $0x0, s20;
	[sflag:s22] =	ssyncset.done $0x0  }
0xa0: {  	[sflag:s22] =	ssyncadd.s32 s4;
	_ =	sdelay $0x1  }
0xa1: {  	s23 =	simm.s32 $0x1B8B  }
0xa2: {  	_ =	swait.ge [sflag:s23], $0x1  }
0xa3: {  	[sflag:s23] =	ssyncset.done $0x0  }
0xa4: {  	s25 =	simm.s32 $0x1B8E;
	s24 =	sld [smem:$0x3FFE];
	[sflag:s23] =	ssyncadd.s32 $0xFFFFFFFF  }
0xa5: {  	s26 =	simm.s32 $execute0_lowered;
	[smem:$0x3FD2] =	sst s25  }
0xa6: {  	s5 =	sshll.u32 s26, $0x1;
	_ =	strace $0x80000049;
	[dreg:$0x1] =	wrdreg $0xFFFFFFFF  }
0xa7: {  	s28 =	simm.s32 $_size_execute0_lowered;
	s3 =	sadd.s32 s3, s5;
	[dreg:$0x0] =	wrdreg $0x0  }
0xa8: {  	s5 =	sshll.u32 s28, $0x1;
	[dreg:$0x2] =	wrdreg s3  }
0xa9: {  	[dreg:$0x3] =	wrdreg s5  }
0xaa: {  	[dreg:$0x4] =	wrdreg $0xC0  }
0xab: {  	_ =	task [dreg:s7], $0x5FFFF  }
0xac: {  	[dreg:$0x1] =	wrdreg $0xFFFFFFFF  }
0xad: {  	[dreg:$0x0] =	wrdreg $0x60  }
0xae: {  	[dreg:$0x2] =	wrdreg s24  }
0xaf: {  	[dreg:$0x3] =	wrdreg s2  }
0xb0: {  	[dreg:$0x4] =	wrdreg $0x106000  }
0xb1: {  	[dreg:$0x5] =	wrdreg $0x9  }
0xb2: {  	_ =	task.clear_ibuf [dreg:s7], $0x6FFFF;
	_ =	strace $0x90000049  }
0xb3: {  	s29 =	simm.s32 $0x9;
	_ =	strace $0x8000004B  }
0xb4: {  	_ =	swait.ge [sflag:s29], $0x1  }
0xb5: {  	[sflag:s29] =	ssyncadd.s32 $0xFFFFFFFF  }
0xb6: {  	_ =	strace $0x9000004B  }
0xb7: {  	_ =	sfence  }
0xb8: {  	s30 =	sld [smem:$0x0];
	_ =	sdelay $0x2  }
0xb9: {  	s31 =	sshll.u32 s1, $0xD;
	s1 =	sshrl.u32 s1, $0x2  }
0xba: {  	s3 =	sand.u32 $0x4000, s31;
	s1 =	sadd.s32 s1, s30  }
0xbb: {  	s0 =	sor.u32 s3, s0;
	s1 =	sshll.u32 s1, $0x11  }
0xbc: {  	s0 =	sor.u32 s1, s0  }
0xbd: {  	s0 =	sadd.s32 $0x8F2B, s0  }
0xbe: {  	[sflag:s0] =	ssyncadd.remote.s32 $0x1  }
0xbf: {  	_ =	sfence.sel $0xFFFF  }
0xc0: {  	[dreg:$0x0] =	wrdreg $0xFFFFFFFF;
	(pc) =	sbr.abs _section_cstart, $3  }
0xc1: {  	[dreg:$0x1] =	wrdreg $0xFFFFFFFF  }
0xc2: {  	_ =	task.clear_ibuf [dreg:s7], $0x2FFFF;
	_ =	strace $0x9FFFFFFF  }
0xc3: {  	(tm) =	ssettm $0x7FFFFFFF  }
tec
execute0_lowered:
.L_overlay_start_1:
0x0: {  	(tag) =	ssettag $0x1  }
0x1: {  	s5 =	rddreg [dreg:$0x0]  }
0x2: {  	s0 =	srdreg.scid;
	s2 =	rddreg [dreg:$0x1]  }
0x3: {  	s3 =	rddreg [dreg:$0x2];
	s1 =	stileid.u32  }
0x4: {  	s4 =	simm.s32 $0x0;
	s13 =	simm.s32 $0x3;
	s14 =	simm.s32 $0x4F00  }
0x5: {  	s15 =	simm.s32 $0x80;
	s16 =	simm.s32 $0x9E00;
	s17 =	simm.s32 $0xBE00  }
0x6: {  	s18 =	simm.s32 $0x1;
	s19 =	simm.s32 $0x2;
	s20 =	simm.s32 $0x4E80  }
0x7: {  	s21 =	simm.s32 $0x9D00;
	s22 =	simm.s32 $0x9D80;
	s8 =	smul.u32 $0x9E0, s1  }
0x8: {  	s6 =	sand.u32 $0x1, s0;
	s0 =	rddreg [dreg:$0x3];
	s11 =	smul.u32 $0x28000, s1  }
0x9: {  	[smem:$0x7FF] =	sst s4;
	s12 =	smul.u32 $0xA000, s1;
	s7 =	sshll.u32 s6, $0x4  }
0xa: {  	_ =	strace $0x8000004A;
	s9 =	smul.u32 $0x14000, s6;
	s6 =	ssub.s32 $0x2, s6  }
0xb: {  	s7 =	sor.u32 s1, s7;
	s8 =	sadd.s32 s8, s5;
	s10 =	sshrl.u32 s6, $0x1  }
0xc: {  	s31 =	sshrl.u32 s11, $0x2;
	s24 =	sshrl.u32 s12, $0x3;
	s25 =	sadd.s32 s12, s3  }
0xd: {  	s12 =	simm.s32 $0xDE00;
	s7 =	smul.u32 $0x9E0, s7;
	s9 =	sadd.s32 s9, s5  }
0xe: {  	s10 =	ssub.s32 s6, s10;
	s6 =	sadd.s32 $0x16600, s8;
	s23 =	sadd.s32 $0x48400, s9  }
0xf: {  	s8 =	smax.u32 s10, $0x1;
	s7 =	sadd.s32 s7, s5;
	s23 =	sadd.s32 s24, s23  }
0x10: {  	s24 =	sshrl.u32 s25, $0x3;
	s5 =	sadd.s32 $0x2A00, s7;
	s7 =	sadd.s32 s31, s3  }
0x11: {  	v0 =	vimm.f32 $0.0e+00;
	s9 =	sadd.s32 $0x2800, s7;
	s10 =	sadd.s32 $0x5000, s7;
	s11 =	sadd.s32 $0x7800, s7  }
.LBB2_1:
0x12: {  	s26 =	simm.s32 $0x100;
	s25 =	simm.s32 $0x0  }
.LBB2_2:
0x13: {  	p0 =	sne.s32 s26, $0x9F00;
	[tilespmem:s25+$0xDE30] =	vst v0;
	s28 =	smov.u32 s26;
	s26 =	sadd.s32 $0x100, s26  }
.Ltmp0:
0x14: {  	[tilespmem:s25+$0xDE20] =	vst v0;
	(pc) =	sbr.rel @p0 .LBB2_2-.Ltmp0, $3  }
0x15: {  	[tilespmem:s25+$0xDE00] =	vst v0  }
0x16: {  	[tilespmem:s25+$0xDE10] =	vst v0;
	_ =	sdelay $0x1  }
0x17: {  	s25 =	sshra.s32 s28, $0x2  }
0x18: {  	[tilespmem:s25+$0xDE30] =	vst v0  }
0x19: {  	[tilespmem:s25+$0xDE20] =	vst v0  }
0x1a: {  	[tilespmem:s25+$0xDE00] =	vst v0  }
0x1b: {  	[tilespmem:s25+$0xDE10] =	vst v0  }
0x1c: {  	[spmem:s7] =	stream.linear.scatter [tilespmem:s12], [sflag:$0x3], $0x2800, $0x38;
	[tilespmem:$0x1A600] =	vst v63  }
0x1d: {  	_ =	swait.ge [sflag:s13], $0x2800  }
0x1e: {  	[sflag:s13] =	ssyncset.done $0x0  }
0x1f: {  	[sflag:s13] =	ssyncadd.s32 $0xFFFFD800  }
0x20: {  	[spmem:s9] =	stream.linear.scatter [tilespmem:s12], [sflag:$0x3], $0x2800, $0x38;
	[tilespmem:$0x1A600] =	vst v63  }
0x21: {  	_ =	swait.ge [sflag:s13], $0x2800  }
0x22: {  	[sflag:s13] =	ssyncset.done $0x0  }
0x23: {  	[sflag:s13] =	ssyncadd.s32 $0xFFFFD800  }
0x24: {  	[spmem:s10] =	stream.linear.scatter [tilespmem:s12], [sflag:$0x3], $0x2800, $0x38;
	[tilespmem:$0x1A600] =	vst v63  }
0x25: {  	_ =	swait.ge [sflag:s13], $0x2800  }
0x26: {  	[sflag:s13] =	ssyncset.done $0x0  }
0x27: {  	[sflag:s13] =	ssyncadd.s32 $0xFFFFD800  }
0x28: {  	[spmem:s11] =	stream.linear.scatter [tilespmem:s12], [sflag:$0x3], $0x2800, $0x38;
	[tilespmem:$0x1A600] =	vst v63  }
0x29: {  	_ =	swait.ge [sflag:s13], $0x2800  }
0x2a: {  	[sflag:s13] =	ssyncset.done $0x0  }
0x2b: {  	s26 =	simm.s32 $0x0;
	[sflag:s13] =	ssyncadd.s32 $0xFFFFD800  }
0x2c: {  	[tilespmem:s26], [sflag:$0x3] =	stream.linear.gather [hbm4b:s5+s26], $0x4F00, $0x38;
	[tilespmem:$0x1A600] =	vst v63  }
0x2d: {  	_ =	swait.ge [sflag:s13], $0x4F00  }
0x2e: {  	[sflag:s13] =	ssyncset.done $0x0  }
0x2f: {  	[sflag:s13] =	ssyncadd.s32 $0xFFFFB100  }
0x30: {  	[tilespmem:s14], [sflag:$0x3] =	stream.linear.gather [hbm4b:s6+s26], $0x4F00, $0x38;
	[tilespmem:$0x1A600] =	vst v63  }
0x31: {  	_ =	swait.ge [sflag:s13], $0x4F00  }
0x32: {  	[sflag:s13] =	ssyncset.done $0x0  }
0x33: {  	[sflag:s13] =	ssyncadd.s32 $0xFFFFB100  }
0x34: {  	[bflag:$0x0] =	sbarrier.arrive $0xFFFF  }
0x35: {  	[tilespmem:s16], [sflag:$0x1] =	stream.indirect.gather [hbm4b:s2+s15], $0x40, s26, s15, $0xb8;
	[tilespmem:$0x1A600] =	vst v63  }
0x36: {  	s28 =	simm.s32 $0x80  }
0x37: {  	[tilespmem:s17], [sflag:$0x2] =	stream.indirect.gather [hbm4b:s2+s15], $0x40, s28, s15, $0xb8;
	[tilespmem:$0x1A600] =	vst v63  }
0x38: {  	_ =	swait.ge [sflag:s18], $0x2000  }
0x39: {  	[sflag:s18] =	ssyncset.done $0x0  }
0x3a: {  	s29 =	simm.s32 $0x4F00;
	[sflag:s18] =	ssyncadd.s32 $0xFFFFE000  }
0x3b: {  	[spmem:s3] =	stream.indirect.scatter.add.f32 [tilespmem:s16], [sflag:$0x3], $0x40, s29, s15, $0xb8;
	[tilespmem:$0x1A600] =	vst v63  }
0x3c: {  	_ =	swait.ge [sflag:s13], $0x2000  }
0x3d: {  	[sflag:s13] =	ssyncset.done $0x0  }
0x3e: {  	s30 =	simm.s32 $0x100;
	[sflag:s13] =	ssyncadd.s32 $0xFFFFE000  }
0x3f: {  	[tilespmem:s16], [sflag:$0x1] =	stream.indirect.gather [hbm4b:s2+s15], $0x40, s30, s15, $0xb8;
	[tilespmem:$0x1A600] =	vst v63  }
0x40: {  	_ =	swait.ge [sflag:s19], $0x2000  }
0x41: {  	[sflag:s19] =	ssyncset.done $0x0  }
0x42: {  	s31 =	simm.s32 $0x4F80;
	[sflag:s19] =	ssyncadd.s32 $0xFFFFE000  }
0x43: {  	[spmem:s3] =	stream.indirect.scatter.add.f32 [tilespmem:s17], [sflag:$0x3], $0x40, s31, s15, $0xb8;
	[tilespmem:$0x1A600] =	vst v63  }
0x44: {  	_ =	swait.ge [sflag:s13], $0x2000  }
0x45: {  	s25 =	simm.s32 $0x100;
	s26 =	simm.s32 $0x800;
	[sflag:s13] =	ssyncset.done $0x0  }
.LBB2_4:
0x46: {  	s28 =	sadd.s32 $0x80, s25  }
0x47: {  	[sflag:s13] =	ssyncadd.s32 $0xFFFFE000;
	s29 =	smov.u32 s26;
	s30 =	sadd.s32 $0x400, s26  }
0x48: {  	[tilespmem:s17], [sflag:$0x2] =	stream.indirect.gather [hbm4b:s2+s15], $0x40, s28, s15, $0xb8;
	[tilespmem:$0x1A600] =	vst v63  }
0x49: {  	p0 =	sne.s32 s26, $0x13400;
	_ =	swait.ge [sflag:s18], $0x2000  }
0x4a: {  	[sflag:s18] =	ssyncset.done $0x0  }
0x4b: {  	s26 =	sadd.s32 $0x4F00, s25;
	[sflag:s18] =	ssyncadd.s32 $0xFFFFE000  }
0x4c: {  	[spmem:s3] =	stream.indirect.scatter.add.f32 [tilespmem:s16], [sflag:$0x3], $0x40, s26, s15, $0xb8;
	[tilespmem:$0x1A600] =	vst v63  }
0x4d: {  	_ =	swait.ge [sflag:s13], $0x2000  }
0x4e: {  	[sflag:s13] =	ssyncset.done $0x0  }
0x4f: {  	s26 =	sadd.s32 $0x100, s25;
	[sflag:s13] =	ssyncadd.s32 $0xFFFFE000  }
0x50: {  	[tilespmem:s16], [sflag:$0x1] =	stream.indirect.gather [hbm4b:s2+s15], $0x40, s26, s15, $0xb8;
	[tilespmem:$0x1A600] =	vst v63  }
0x51: {  	_ =	swait.ge [sflag:s19], $0x2000  }
.Ltmp1:
0x52: {  	[sflag:s19] =	ssyncset.done $0x0;
	(pc) =	sbr.rel @p0 .LBB2_4-.Ltmp1, $4  }
0x53: {  	s25 =	sadd.s32 $0x4F80, s25;
	[sflag:s19] =	ssyncadd.s32 $0xFFFFE000  }
0x54: {  	[spmem:s3] =	stream.indirect.scatter.add.f32 [tilespmem:s17], [sflag:$0x3], $0x40, s25, s15, $0xb8;
	[tilespmem:$0x1A600] =	vst v63  }
0x55: {  	_ =	swait.ge [sflag:s13], $0x2000  }
0x56: {  	s26 =	smov.u32 s30;
	s25 =	sshra.s32 s29, $0x2;
	[sflag:s13] =	ssyncset.done $0x0  }
0x57: {  	s26 =	sadd.s32 $0x80, s25;
	[sflag:s13] =	ssyncadd.s32 $0xFFFFE000  }
0x58: {  	[tilespmem:s17], [sflag:$0x2] =	stream.indirect.gather [hbm4b:s2+s15], $0x40, s26, s15, $0xb8;
	[tilespmem:$0x1A600] =	vst v63  }
0x59: {  	_ =	swait.ge [sflag:s18], $0x2000  }
0x5a: {  	[sflag:s18] =	ssyncset.done $0x0  }
0x5b: {  	s28 =	sadd.s32 $0x4F00, s25;
	[sflag:s18] =	ssyncadd.s32 $0xFFFFE000  }
0x5c: {  	[spmem:s3] =	stream.indirect.scatter.add.f32 [tilespmem:s16], [sflag:$0x3], $0x40, s28, s15, $0xb8;
	[tilespmem:$0x1A600] =	vst v63  }
0x5d: {  	_ =	swait.ge [sflag:s13], $0x2000  }
0x5e: {  	[sflag:s13] =	ssyncset.done $0x0  }
0x5f: {  	s29 =	sadd.s32 $0x100, s25;
	[sflag:s13] =	ssyncadd.s32 $0xFFFFE000  }
0x60: {  	[tilespmem:s16], [sflag:$0x1] =	stream.indirect.gather [hbm4b:s2+s15], $0x40, s29, s15, $0xb8;
	[tilespmem:$0x1A600] =	vst v63  }
0x61: {  	_ =	swait.ge [sflag:s19], $0x2000  }
0x62: {  	[sflag:s19] =	ssyncset.done $0x0  }
0x63: {  	s30 =	sadd.s32 $0x4F80, s25;
	[sflag:s19] =	ssyncadd.s32 $0xFFFFE000  }
0x64: {  	[spmem:s3] =	stream.indirect.scatter.add.f32 [tilespmem:s17], [sflag:$0x3], $0x40, s30, s15, $0xb8;
	[tilespmem:$0x1A600] =	vst v63  }
0x65: {  	_ =	swait.ge [sflag:s13], $0x2000  }
0x66: {  	[sflag:s13] =	ssyncset.done $0x0  }
0x67: {  	[sflag:s13] =	ssyncadd.s32 $0xFFFFE000  }
0x68: {  	[tilespmem:s17], [sflag:$0x2] =	stream.indirect.gather [hbm4b:s2+s15], $0x40, s20, s15, $0xb8;
	[tilespmem:$0x1A600] =	vst v63  }
0x69: {  	_ =	swait.ge [sflag:s18], $0x2000  }
0x6a: {  	[sflag:s18] =	ssyncset.done $0x0  }
0x6b: {  	[sflag:s18] =	ssyncadd.s32 $0xFFFFE000  }
0x6c: {  	[spmem:s3] =	stream.indirect.scatter.add.f32 [tilespmem:s16], [sflag:$0x3], $0x40, s21, s15, $0xb8;
	[tilespmem:$0x1A600] =	vst v63  }
0x6d: {  	_ =	swait.ge [sflag:s13], $0x2000  }
0x6e: {  	[sflag:s13] =	ssyncset.done $0x0  }
0x6f: {  	[sflag:s13] =	ssyncadd.s32 $0xFFFFE000  }
0x70: {  	[tilespmem:s16], [sflag:$0x1] =	stream.indirect.gather [hbm4b:s2+s15], $0x40, s20, s15, $0xb8;
	[tilespmem:$0x1A600] =	vst v63  }
0x71: {  	_ =	swait.ge [sflag:s19], $0x2000  }
0x72: {  	[sflag:s19] =	ssyncset.done $0x0  }
0x73: {  	[sflag:s19] =	ssyncadd.s32 $0xFFFFE000  }
0x74: {  	[spmem:s3] =	stream.indirect.scatter.add.f32 [tilespmem:s17], [sflag:$0x3], $0x40, s22, s15, $0xb8;
	[tilespmem:$0x1A600] =	vst v63  }
0x75: {  	_ =	swait.ge [sflag:s13], $0x2000  }
0x76: {  	[sflag:s13] =	ssyncset.done $0x0  }
0x77: {  	[sflag:s13] =	ssyncadd.s32 $0xFFFFE000  }
0x78: {  	_ =	swait.ge [sflag:s18], $0x2000  }
0x79: {  	s4 =	sadd.s32 $0x1, s4;
	[sflag:s18] =	ssyncset.done $0x0  }
0x7a: {  	s31 =	sshll.u32 s1, $0x6;
	p0 =	sne.s32 s4, s8;
	[sflag:s18] =	ssyncadd.s32 $0xFFFFE000  }
.Ltmp2:
0x7b: {  	s25 =	sor.u32 $0x1C03, s31;
	[bflag:$0x0] =	sbarrier.arrive $0xFFFF;
	(pc) =	sbr.rel @p0 .LBB2_1-.Ltmp2, $4  }
0x7c: {  	[hbm:s23], [sflag:s25] =	dma.local [spmem:s24], $0x1400  }
0x7d: {  	_ =	swait.ge [sflag:s13], $0x1400  }
0x7e: {  	[sflag:s13] =	ssyncset.done $0x0  }
0x7f: {  	[sflag:s13] =	ssyncadd.s32 $0xFFFFEC00  }
0x80: {  	_ =	sfence.sel $0x180000  }
0x81: {  	[bflag:$0x0] =	sbarrier.arrive $0xFFFF  }
0x82: {  	p0 =	sne.s32 s1, $0x0;
	_ =	strace $0x9000004A  }
0x83: {  	s0 =	sadd.s32 @!p0 $0x100000, s0;
	[bflag:$0x2] =	sbarrier.arrive $0xFFFF  }
0x84: {  	[sflag:s0] =	ssyncadd.tile.s32 @!p0 $0x1;
	_ =	shalt  }
.Lfunc_end2:
_tile_overlayer_lowered:
.L_overlay_start_2:
0x85: {  	(tag) =	ssettag $0x2  }
0x86: {  	s0 =	rddreg [dreg:$0x0];
	s2 =	stileid.u32  }
0x87: {  	s1 =	rddreg [dreg:$0x1];
	p0 =	sne.s32 s2, $0x0  }
0x88: {  	s3 =	rddreg [dreg:$0x2];
	[bflag:$0x3] =	sbarrier.arrive $0xFFFF;
	s2 =	simm.s32 @!p0 $0x1C03  }
0x89: {  	[timem:s3], [sflag:s2] =	dma.local @!p0 [hbm:s0], s1  }
0x8a: {  	s0 =	simm.s32 @!p0 $0x3  }
0x8b: {  	_ =	swait.ge @!p0 [sflag:s0], s1  }
0x8c: {  	s1 =	ssub.s32 @!p0 $0x0, s1;
	[sflag:s0] =	ssyncset.done @!p0 $0x0  }
0x8d: {  	[sflag:s0] =	ssyncadd.s32 @!p0 s1  }
0x8e: {  	[bflag:$0x3] =	sbarrier.arrive $0xFFFF  }
0x8f: {  	_ =	shalt  }

// kernel: kernel.7.cloned.1.call-start
scs
__scs_entry_jumppad:
0x0: {  	(pc) =	sbr.rel $0x88, $3  }
0x1: {  	(tag) =	ssettag $0x0;
	lr =	simm.s32 $0x1  }
0x2: {  	[smem:$0x3F99] =	sst lr;
	_ =	strace $0xD0000000  }
0x3: {  	_ = 	snop  }
0x4: {  	_ = 	snop  }
0x5: {  	_ = 	snop  }
0x6: {  	_ = 	snop  }
0x7: {  	_ = 	snop  }
__scs_overlays_trampoline_lowered:
0x8: {  	[smem:$0x3FA8] =	sst s0  }
0x9: {  	[smem:$0x3FA9] =	sst s1  }
0xa: {  	[smem:$0x3FAA] =	sst s2  }
0xb: {  	[smem:$0x3FAB] =	sst s3  }
0xc: {  	[smem:$0x3FAC] =	sst s4  }
0xd: {  	[smem:$0x3FAD] =	sst s5  }
0xe: {  	[smem:$0x3FAE] =	sst s6  }
0xf: {  	[smem:$0x3FAF] =	sst s7  }
0x10: {  	[smem:$0x3FB0] =	sst s8  }
0x11: {  	[smem:$0x3FB1] =	sst s9;
	s0 =	simm.s32 @!p0 $0x0  }
0x12: {  	s1 =	sld [smem:$0x3F97];
	s0 =	simm.s32 @p0 $0x1  }
0x13: {  	[smem:$0x3FB2] =	sst s0;
	s0 =	simm.s32 @!p1 $0x0  }
0x14: {  	s2 =	sld [smem:$0x3F96];
	s0 =	simm.s32 @p1 $0x1  }
0x15: {  	[smem:$0x3FB3] =	sst s0;
	s0 =	simm.s32 @!p2 $0x0  }
0x16: {  	s3 =	sld [smem:$0x3FDB];
	s0 =	simm.s32 @p2 $0x1  }
0x17: {  	s4 =	simm.s32 $0x1BF5;
	[smem:$0x3FB5] =	sst s0  }
0x18: {  	s0 =	sld [smem:$0x3F98];
	_ =	swait.ge [sflag:s4], $0x0  }
0x19: {  	s7 =	sld [smem:$0x3F99]  }
0x1a: {  	s8 =	sadd.s32 $0xFFFFE003, lr  }
0x1b: {  	s9 =	sadd.s32 $0xFFFFFEF7, lr;
	s5 =	simm.s32 $0xFFFFFFFF;
	p2 =	slt.u32 s8, $0xFFFFF086  }
0x1c: {  	p1 =	slt.u32 s9, $0xF7A;
	s5 =	simm.s32 @!p2 $0x0  }
0x1d: {  	s5 =	simm.s32 @p1 $0x1;
	p0 =	seq.s32 s7, s2  }
0x1e: {  	s7 =	smul.u32 @!p0 $0xF7A, s2;
	p2 =	seq.s32 @!p0 s5, $0x0  }
0x1f: {  	s9 =	smul.u32 $0xF7A, s1;
	s8 =	simm.s32 @!p0 $0x1BF5;
	p2 =	por !p2, p0  }
0x20: {  	[sflag:s8] =	ssyncset.s32 @!p0 $0xFFFFF086;
	s6 =	sadd.s32 @!p0 s3, s7;
	s7 =	simm.s32 @!p0 $0x108  }
0x21: {  	s3 =	sadd.s32 s3, s9;
	s6 =	sadd.s32 @!p0 $0x88, s6;
	s7 =	simm.s32 @p2 $0x1082  }
0x22: {  	[simem:s7], [sflag:s8] =	dma.local @!p0 [hbm:s6], $0xF7A  }
0x23: {  	s9 =	sor.u32 $0xD0000000, s2;
	s6 =	simm.s32 $0x108;
	_ =	swait.ge @!p0 [sflag:s8], $0x0  }
0x24: {  	s3 =	sadd.s32 $0x88, s3;
	s6 =	simm.s32 @!p1 $0x1082;
	[sflag:s4] =	ssyncset.s32 $0xFFFFF086  }
0x25: {  	[simem:s6], [sflag:s4] =	dma.local [hbm:s3], $0xF7A  }
0x26: {  	[smem:$0x3F99] =	sst s1;
	(tag) =	ssettag s2;
	_ =	strace s9  }
0x27: {  	s1 =	sld [smem:$0x3FA9]  }
0x28: {  	s2 =	sld [smem:$0x3FAA]  }
0x29: {  	s4 =	sld [smem:$0x3FAC]  }
0x2a: {  	p0 =	seq.s32 s5, $0x0;
	s5 =	sld [smem:$0x3FAD]  }
0x2b: {  	s6 =	sld [smem:$0x3FAE]  }
0x2c: {  	s7 =	sld [smem:$0x3FAF]  }
0x2d: {  	s3 =	simm.s32 $0x108;
	s8 =	sld [smem:$0x3FB0]  }
0x2e: {  	s3 =	simm.s32 @!p0 $0x1082;
	s9 =	sld [smem:$0x3FB1]  }
0x2f: {  	lr =	sadd.s32 s0, s3;
	s0 =	sld [smem:$0x3FA8]  }
0x30: {  	s3 =	sld [smem:$0x3FAB]  }
0x31: {  	[smem:$0x3FB4] =	sst s10  }
0x32: {  	s10 =	sld [smem:$0x3FB2];
	_ =	sdelay $0x3  }
0x33: {  	p0 =	seq.s32 s10, $0x1;
	s10 =	sld [smem:$0x3FB4];
	_ =	sdelay $0x3  }
0x34: {  	[smem:$0x3FB4] =	sst s10  }
0x35: {  	s10 =	sld [smem:$0x3FB3];
	_ =	sdelay $0x3  }
0x36: {  	p1 =	seq.s32 s10, $0x1;
	s10 =	sld [smem:$0x3FB4];
	_ =	sdelay $0x3  }
0x37: {  	[smem:$0x3FB4] =	sst s10  }
0x38: {  	s10 =	sld [smem:$0x3FB5]  }
0x39: {  	_ = 	snop;
	(pc) =	sbr.ind lr, $3  }
0x3a: {  	_ = 	snop  }
0x3b: {  	_ = 	snop  }
0x3c: {  	p2 =	seq.s32 s10, $0x1;
	s10 =	sld [smem:$0x3FB4]  }
0x3d: {  	_ =	shalt  }
0x3e: {  	_ =	shalt  }
0x3f: {  	_ =	shalt  }
0x40: {  	_ =	shalt  }
0x41: {  	_ =	shalt  }
0x42: {  	_ =	shalt  }
0x43: {  	_ =	shalt  }
0x44: {  	_ =	shalt  }
0x45: {  	_ =	shalt  }
0x46: {  	_ =	shalt  }
0x47: {  	_ =	shalt  }
0x48: {  	_ =	shalt  }
0x49: {  	_ =	shalt  }
0x4a: {  	_ =	shalt  }
0x4b: {  	_ =	shalt  }
0x4c: {  	_ =	shalt  }
0x4d: {  	_ =	shalt  }
0x4e: {  	_ =	shalt  }
0x4f: {  	_ =	shalt  }
0x50: {  	_ =	shalt  }
0x51: {  	_ =	shalt  }
0x52: {  	_ =	shalt  }
0x53: {  	_ =	shalt  }
0x54: {  	_ =	shalt  }
0x55: {  	_ =	shalt  }
0x56: {  	_ =	shalt  }
0x57: {  	_ =	shalt  }
0x58: {  	_ =	shalt  }
0x59: {  	_ =	shalt  }
0x5a: {  	_ =	shalt  }
0x5b: {  	_ =	shalt  }
0x5c: {  	_ =	shalt  }
0x5d: {  	_ =	shalt  }
0x5e: {  	_ =	shalt  }
0x5f: {  	_ =	shalt  }
0x60: {  	_ =	shalt  }
0x61: {  	_ =	shalt  }
0x62: {  	_ =	shalt  }
0x63: {  	_ =	shalt  }
0x64: {  	_ =	shalt  }
0x65: {  	_ =	shalt  }
0x66: {  	_ =	shalt  }
0x67: {  	_ =	shalt  }
0x68: {  	_ =	shalt  }
0x69: {  	_ =	shalt  }
0x6a: {  	_ =	shalt  }
0x6b: {  	_ =	shalt  }
0x6c: {  	_ =	shalt  }
0x6d: {  	_ =	shalt  }
0x6e: {  	_ =	shalt  }
0x6f: {  	_ =	shalt  }
0x70: {  	_ =	shalt  }
0x71: {  	_ =	shalt  }
0x72: {  	_ =	shalt  }
0x73: {  	_ =	shalt  }
0x74: {  	_ =	shalt  }
0x75: {  	_ =	shalt  }
0x76: {  	_ =	shalt  }
0x77: {  	_ =	shalt  }
0x78: {  	_ =	shalt  }
0x79: {  	_ =	shalt  }
0x7a: {  	_ =	shalt  }
0x7b: {  	_ =	shalt  }
0x7c: {  	_ =	shalt  }
0x7d: {  	_ =	shalt  }
0x7e: {  	_ =	shalt  }
0x7f: {  	_ =	shalt  }
0x80: {  	_ =	shalt  }
0x81: {  	_ =	shalt  }
0x82: {  	_ =	shalt  }
0x83: {  	_ =	shalt  }
0x84: {  	_ =	shalt  }
0x85: {  	_ =	shalt  }
0x86: {  	_ =	shalt  }
0x87: {  	_ =	shalt  }
.Lfunc_end0:
.L_simem_size_0:
called_computation_lowered:
.L_overlay_start_0:
0x88: {  	s2 =	sld [smem:$0x3FD9]  }
0x89: {  	s3 =	sld [smem:$0x3FFE];
	_ =	sdelay $0x1  }
0x8a: {  	s1 =	srdreg.scid  }
0x8b: {  	s0 =	sand.u32 $0x1, s1  }
0x8c: {  	s17 =	sshll.u32 s0, $0xA;
	s2 =	sadd.s32 s3, s2  }
0x8d: {  	s2 =	sadd.s32 s2, s17  }
0x8e: {  	[smem:$0x3FC0] =	sst s2  }
0x8f: {  	_ = 	snop  }
0x90: {  	s2 =	sld [smem:$0x3FD0];
	(tm) =	ssettm $0x1  }
0x91: {  	s18 =	sld [smem:$0x3FFB];
	_ =	sdelay $0x3  }
0x92: {  	_ =	strace s18  }
0x93: {  	s3 =	sld [smem:$0x3FFC];
	_ =	sdelay $0x3  }
0x94: {  	_ =	strace s3  }
0x95: {  	s3 =	sld [smem:$0x3FFD];
	_ =	sdelay $0x3  }
0x96: {  	_ =	strace s3  }
0x97: {  	_ =	strace $0x8FFFFFFF  }
0x98: {  	s19 =	sld [smem:$0x3FDB];
	_ =	sdelay $0x1  }
0x99: {  	s4 =	simm.s32 $_scs_section_size  }
0x9a: {  	s5 =	simm.s32 $_size__tile_overlayer_lowered;
	s6 =	simm.s32 $_tile_overlayer_lowered  }
0x9b: {  	s22 =	simm.s32 $0x1BFF;
	s21 =	sshll.u32 s6, $0x1;
	s3 =	sadd.s32 s4, s19  }
0x9c: {  	s7 =	simm.s32 $0x0;
	s20 =	sshll.u32 s5, $0x1;
	s5 =	sadd.s32 s21, s3  }
0x9d: {  	[timem:s7], [sflag:s22] =	dma.local [hbm:s5], s20  }
0x9e: {  	_ =	swait.ge [sflag:s22], s20  }
0x9f: {  	s4 =	ssub.s32 $0x0, s20;
	[sflag:s22] =	ssyncset.done $0x0  }
0xa0: {  	[sflag:s22] =	ssyncadd.s32 s4;
	_ =	sdelay $0x1  }
0xa1: {  	s23 =	simm.s32 $0x1B8B  }
0xa2: {  	_ =	swait.ge [sflag:s23], $0x1  }
0xa3: {  	[sflag:s23] =	ssyncset.done $0x0  }
0xa4: {  	s25 =	simm.s32 $0x1B8E;
	s24 =	sld [smem:$0x3FFE];
	[sflag:s23] =	ssyncadd.s32 $0xFFFFFFFF  }
0xa5: {  	s26 =	simm.s32 $execute0_lowered;
	[smem:$0x3FD2] =	sst s25  }
0xa6: {  	s5 =	sshll.u32 s26, $0x1;
	_ =	strace $0x80000046;
	[dreg:$0x1] =	wrdreg $0xFFFFFFFF  }
0xa7: {  	s28 =	simm.s32 $_size_execute0_lowered;
	s3 =	sadd.s32 s3, s5;
	[dreg:$0x0] =	wrdreg $0x0  }
0xa8: {  	s5 =	sshll.u32 s28, $0x1;
	[dreg:$0x2] =	wrdreg s3  }
0xa9: {  	[dreg:$0x3] =	wrdreg s5  }
0xaa: {  	[dreg:$0x4] =	wrdreg $0xC0  }
0xab: {  	_ =	task [dreg:s7], $0x5FFFF  }
0xac: {  	[dreg:$0x1] =	wrdreg $0xFFFFFFFF  }
0xad: {  	[dreg:$0x0] =	wrdreg $0x60  }
0xae: {  	[dreg:$0x2] =	wrdreg s24  }
0xaf: {  	[dreg:$0x3] =	wrdreg s2  }
0xb0: {  	[dreg:$0x4] =	wrdreg $0x106000  }
0xb1: {  	[dreg:$0x5] =	wrdreg $0x1B8000  }
0xb2: {  	[dreg:$0x6] =	wrdreg $0x9  }
0xb3: {  	_ =	task.clear_ibuf [dreg:s7], $0x7FFFF;
	_ =	strace $0x90000046  }
0xb4: {  	s29 =	simm.s32 $0x9;
	_ =	strace $0x80000048  }
0xb5: {  	_ =	swait.ge [sflag:s29], $0x1  }
0xb6: {  	[sflag:s29] =	ssyncadd.s32 $0xFFFFFFFF  }
0xb7: {  	_ =	strace $0x90000048  }
0xb8: {  	_ =	sfence  }
0xb9: {  	s30 =	sld [smem:$0x0];
	_ =	sdelay $0x2  }
0xba: {  	s31 =	sshll.u32 s1, $0xD;
	s1 =	sshrl.u32 s1, $0x2  }
0xbb: {  	s3 =	sand.u32 $0x4000, s31;
	s1 =	sadd.s32 s1, s30  }
0xbc: {  	s0 =	sor.u32 s3, s0;
	s1 =	sshll.u32 s1, $0x11  }
0xbd: {  	s0 =	sor.u32 s1, s0  }
0xbe: {  	s0 =	sadd.s32 $0x8F2B, s0  }
0xbf: {  	[sflag:s0] =	ssyncadd.remote.s32 $0x1  }
0xc0: {  	_ =	sfence.sel $0xFFFF  }
0xc1: {  	[dreg:$0x0] =	wrdreg $0xFFFFFFFF;
	(pc) =	sbr.abs _section_cstart, $3  }
0xc2: {  	[dreg:$0x1] =	wrdreg $0xFFFFFFFF  }
0xc3: {  	_ =	task.clear_ibuf [dreg:s7], $0x2FFFF;
	_ =	strace $0x9FFFFFFF  }
0xc4: {  	(tm) =	ssettm $0x7FFFFFFF  }
0xc5: {  	_ =	shalt  }
tec
execute0_lowered:
.L_overlay_start_1:
0x0: {  	(tag) =	ssettag $0x1  }
0x1: {  	s0 =	rddreg [dreg:$0x0];
	s11 =	stileid.u32  }
0x2: {  	s2 =	srdreg.scid;
	s7 =	smul.u32 $0x9E0, s11  }
0x3: {  	s1 =	rddreg [dreg:$0x1];
	s10 =	smul.u32 $0x280, s11  }
0x4: {  	s3 =	rddreg [dreg:$0x2];
	s13 =	smul.u32 $0xA000, s11  }
0x5: {  	s4 =	rddreg [dreg:$0x3];
	s15 =	smul.u32 $0x2800, s11  }
0x6: {  	s28 =	simm.s32 $0xBE00;
	s2 =	sand.u32 $0x1, s2;
	s16 =	smul.u32 $0x28000, s11  }
0x7: {  	s29 =	simm.s32 $0x1;
	s30 =	simm.s32 $0x1A600;
	s8 =	smul.u32 $0x14000, s2  }
0x8: {  	s31 =	simm.s32 $0x2;
	s5 =	sshll.u32 s2, $0x4;
	s9 =	smul.u32 $0x5000, s2  }
0x9: {  	s2 =	ssub.s32 $0x2, s2;
	s6 =	sor.u32 s11, s5;
	s5 =	simm.s32 $0x0  }
0xa: {  	s7 =	sadd.s32 s7, s0;
	s14 =	sshrl.u32 s2, $0x1;
	s20 =	sshrl.u32 s13, $0x3  }
0xb: {  	s21 =	sadd.s32 s13, s3;
	s22 =	sshrl.u32 s15, $0x3;
	s17 =	sshrl.u32 s16, $0x2  }
0xc: {  	s19 =	sadd.s32 $0xA0, s10;
	s16 =	sadd.s32 $0x1E0, s10;
	s13 =	sshrl.u32 s13, $0x2  }
0xd: {  	s6 =	smul.u32 $0x9E0, s6;
	[smem:$0x7FF] =	sst s5;
	s8 =	sadd.s32 s8, s0  }
0xe: {  	s2 =	ssub.s32 s2, s14;
	s7 =	sadd.s32 $0x16600, s7;
	s18 =	sadd.s32 s17, s3  }
0xf: {  	s23 =	sshll.u32 s19, $0x6;
	s14 =	sadd.s32 $0x140, s10;
	s12 =	sshll.u32 s16, $0x6  }
0x10: {  	s13 =	sadd.s32 s13, s4;
	s26 =	sshll.u32 s16, $0x4;
	s17 =	simm.s32 $0xDE00  }
0x11: {  	_ =	strace $0x80000047;
	[dreg:$0x6] =	wrdreg s7;
	s7 =	sadd.s32 $0x20400, s8  }
0x12: {  	s2 =	smax.u32 s2, $0x1;
	[dreg:$0x8] =	wrdreg s18;
	s24 =	sadd.s32 s23, s3  }
0x13: {  	s25 =	sshll.u32 s14, $0x6;
	s12 =	sadd.s32 s12, s3;
	s16 =	sadd.s32 s26, s4  }
0x14: {  	s18 =	simm.s32 $0x3;
	s23 =	simm.s32 $0x80;
	s26 =	simm.s32 $0x9E00  }
0x15: {  	s6 =	sadd.s32 s6, s0;
	s0 =	sadd.s32 s9, s0;
	[dreg:$0x7] =	wrdreg s2  }
0x16: {  	[dreg:$0x9] =	wrdreg s24;
	s11 =	sadd.s32 s25, s3;
	s2 =	sshll.u32 s19, $0x4  }
0x17: {  	s19 =	simm.s32 $0x1AE00;
	s20 =	sadd.s32 s20, s7;
	s24 =	sshrl.u32 s21, $0x3  }
0x18: {  	s21 =	simm.s32 $0x9D00;
	s6 =	sadd.s32 $0x2A00, s6;
	s0 =	sadd.s32 $0x48400, s0  }
0x19: {  	[dreg:$0x5] =	wrdreg s6;
	s6 =	sadd.s32 s15, s4;
	s15 =	sshll.u32 s14, $0x4  }
0x1a: {  	s14 =	sadd.s32 s2, s4;
	s22 =	sadd.s32 s22, s0;
	s2 =	simm.s32 $0x4E80  }
0x1b: {  	v0 =	vimm.f32 $0.0e+00;
	v1 =	vimm.f32 $1.000000000e+00;
	s0 =	simm.s32 $0x9D80;
	s15 =	sadd.s32 s15, s4;
	s25 =	sshrl.u32 s6, $0x3  }
.LBB2_1:
0x1c: {  	s7 =	simm.s32 $0x100;
	s6 =	simm.s32 $0x0  }
.LBB2_2:
0x1d: {  	p0 =	sne.s32 s7, $0x9F00;
	[tilespmem:s6+$0xDE30] =	vst v0;
	s8 =	smov.u32 s7;
	s7 =	sadd.s32 $0x100, s7  }
.Ltmp0:
0x1e: {  	[tilespmem:s6+$0xDE20] =	vst v0;
	(pc) =	sbr.rel @p0 .LBB2_2-.Ltmp0, $3  }
0x1f: {  	[tilespmem:s6+$0xDE00] =	vst v0  }
0x20: {  	[tilespmem:s6+$0xDE10] =	vst v0;
	_ =	sdelay $0x1  }
0x21: {  	s6 =	sshra.s32 s8, $0x2  }
0x22: {  	[tilespmem:s6+$0xDE30] =	vst v0  }
0x23: {  	[tilespmem:s6+$0xDE20] =	vst v0  }
0x24: {  	[tilespmem:s6+$0xDE00] =	vst v0  }
0x25: {  	[tilespmem:s6+$0xDE10] =	vst v0;
	s9 =	rddreg [dreg:$0x8]  }
0x26: {  	[spmem:s9] =	stream.linear.scatter [tilespmem:s17], [sflag:$0x3], $0x2800, $0x38;
	[tilespmem:$0x1E000] =	vst v63  }
0x27: {  	_ =	swait.ge [sflag:s18], $0x2800  }
0x28: {  	[sflag:s18] =	ssyncset.done $0x0  }
0x29: {  	s10 =	rddreg [dreg:$0x9];
	[sflag:s18] =	ssyncadd.s32 $0xFFFFD800  }
0x2a: {  	[spmem:s10] =	stream.linear.scatter [tilespmem:s17], [sflag:$0x3], $0x2800, $0x38;
	[tilespmem:$0x1E000] =	vst v63  }
0x2b: {  	_ =	swait.ge [sflag:s18], $0x2800  }
0x2c: {  	[sflag:s18] =	ssyncset.done $0x0  }
0x2d: {  	[sflag:s18] =	ssyncadd.s32 $0xFFFFD800  }
0x2e: {  	[spmem:s11] =	stream.linear.scatter [tilespmem:s17], [sflag:$0x3], $0x2800, $0x38;
	[tilespmem:$0x1E000] =	vst v63  }
0x2f: {  	_ =	swait.ge [sflag:s18], $0x2800  }
0x30: {  	[sflag:s18] =	ssyncset.done $0x0  }
0x31: {  	[sflag:s18] =	ssyncadd.s32 $0xFFFFD800  }
0x32: {  	[spmem:s12] =	stream.linear.scatter [tilespmem:s17], [sflag:$0x3], $0x2800, $0x38;
	[tilespmem:$0x1E000] =	vst v63  }
0x33: {  	_ =	swait.ge [sflag:s18], $0x2800  }
0x34: {  	[sflag:s18] =	ssyncset.done $0x0  }
0x35: {  	s6 =	simm.s32 $0x40;
	s7 =	simm.s32 $0x0;
	[sflag:s18] =	ssyncadd.s32 $0xFFFFD800  }
.LBB2_4:
0x36: {  	p0 =	seq.s32 s6, $0x27C0;
	[tilespmem:s7+$0x1AE00] =	vst v0;
	s7 =	smov.u32 s6;
	s6 =	sadd.s32 $0x40, s6  }
.Ltmp1:
0x37: {  	(pc) =	sbr.rel @!p0 .LBB2_4-.Ltmp1, $2  }
0x38: {  	_ =	sdelay $0x2  }
0x39: {  	s7 =	sshra.s32 s7, $0x2  }
0x3a: {  	[tilespmem:s7+$0x1AE00] =	vst v0;
	s6 =	simm.s32 $0x40;
	s7 =	simm.s32 $0x0  }
.LBB2_6:
0x3b: {  	p0 =	seq.s32 s6, $0x1FC0;
	[tilespmem:s7+$0x1A600] =	vst v1;
	s7 =	smov.u32 s6;
	s6 =	sadd.s32 $0x40, s6  }
.Ltmp2:
0x3c: {  	(pc) =	sbr.rel @!p0 .LBB2_6-.Ltmp2, $2  }
0x3d: {  	_ =	sdelay $0x2  }
0x3e: {  	s7 =	sshra.s32 s7, $0x2  }
0x3f: {  	[tilespmem:s7+$0x1A600] =	vst v1  }
0x40: {  	[spmem:s13] =	stream.linear.scatter [tilespmem:s19], [sflag:$0x3], $0xA00, $0x38;
	[tilespmem:$0x1E000] =	vst v63  }
0x41: {  	_ =	swait.ge [sflag:s18], $0xA00  }
0x42: {  	[sflag:s18] =	ssyncset.done $0x0  }
0x43: {  	[sflag:s18] =	ssyncadd.s32 $0xFFFFF600  }
0x44: {  	[spmem:s14] =	stream.linear.scatter [tilespmem:s19], [sflag:$0x3], $0xA00, $0x38;
	[tilespmem:$0x1E000] =	vst v63  }
0x45: {  	_ =	swait.ge [sflag:s18], $0xA00  }
0x46: {  	[sflag:s18] =	ssyncset.done $0x0  }
0x47: {  	[sflag:s18] =	ssyncadd.s32 $0xFFFFF600  }
0x48: {  	[spmem:s15] =	stream.linear.scatter [tilespmem:s19], [sflag:$0x3], $0xA00, $0x38;
	[tilespmem:$0x1E000] =	vst v63  }
0x49: {  	_ =	swait.ge [sflag:s18], $0xA00  }
0x4a: {  	[sflag:s18] =	ssyncset.done $0x0  }
0x4b: {  	[sflag:s18] =	ssyncadd.s32 $0xFFFFF600  }
0x4c: {  	[spmem:s16] =	stream.linear.scatter [tilespmem:s19], [sflag:$0x3], $0xA00, $0x38;
	[tilespmem:$0x1E000] =	vst v63  }
0x4d: {  	_ =	swait.ge [sflag:s18], $0xA00  }
0x4e: {  	[sflag:s18] =	ssyncset.done $0x0  }
0x4f: {  	s6 =	simm.s32 $0x0;
	s9 =	rddreg [dreg:$0x5];
	[sflag:s18] =	ssyncadd.s32 $0xFFFFF600  }
0x50: {  	[tilespmem:s6], [sflag:$0x3] =	stream.linear.gather [hbm4b:s9+s6], $0x4F00, $0x38;
	[tilespmem:$0x1E000] =	vst v63  }
0x51: {  	_ =	swait.ge [sflag:s18], $0x4F00  }
0x52: {  	[sflag:s18] =	ssyncset.done $0x0  }
0x53: {  	s8 =	simm.s32 $0x4F00;
	s10 =	rddreg [dreg:$0x6];
	[sflag:s18] =	ssyncadd.s32 $0xFFFFB100  }
0x54: {  	[tilespmem:s8], [sflag:$0x3] =	stream.linear.gather [hbm4b:s10+s6], $0x4F00, $0x38;
	[tilespmem:$0x1E000] =	vst v63  }
0x55: {  	_ =	swait.ge [sflag:s18], $0x4F00  }
0x56: {  	[sflag:s18] =	ssyncset.done $0x0  }
0x57: {  	[sflag:s18] =	ssyncadd.s32 $0xFFFFB100  }
0x58: {  	[bflag:$0x0] =	sbarrier.arrive $0xFFFF  }
0x59: {  	[tilespmem:s26], [sflag:$0x1] =	stream.indirect.gather [hbm4b:s1+s23], $0x40, s6, s23, $0xb8;
	[tilespmem:$0x1E000] =	vst v63  }
0x5a: {  	s7 =	simm.s32 $0x80  }
0x5b: {  	[tilespmem:s28], [sflag:$0x2] =	stream.indirect.gather [hbm4b:s1+s23], $0x40, s7, s23, $0xb8;
	[tilespmem:$0x1E000] =	vst v63  }
0x5c: {  	_ =	swait.ge [sflag:s29], $0x2000  }
0x5d: {  	[sflag:s29] =	ssyncset.done $0x0  }
0x5e: {  	s8 =	simm.s32 $0x4F00;
	[sflag:s29] =	ssyncadd.s32 $0xFFFFE000  }
0x5f: {  	[spmem:s3] =	stream.indirect.scatter.add.f32 [tilespmem:s26], [sflag:$0x3], $0x40, s8, s23, $0xb8;
	[tilespmem:$0x1E000] =	vst v63  }
0x60: {  	_ =	swait.ge [sflag:s18], $0x2000  }
0x61: {  	[sflag:s18] =	ssyncset.done $0x0  }
0x62: {  	[sflag:s18] =	ssyncadd.s32 $0xFFFFE000  }
0x63: {  	[spmem:s4] =	stream.indirect.scatter.add.f32 [tilespmem:s30], [sflag:$0x3], $0x10, s8, s23, $0xb8;
	[tilespmem:$0x1E000] =	vst v63  }
0x64: {  	_ =	swait.ge [sflag:s18], $0x800  }
0x65: {  	[sflag:s18] =	ssyncset.done $0x0  }
0x66: {  	s9 =	simm.s32 $0x100;
	[sflag:s18] =	ssyncadd.s32 $0xFFFFF800  }
0x67: {  	[tilespmem:s26], [sflag:$0x1] =	stream.indirect.gather [hbm4b:s1+s23], $0x40, s9, s23, $0xb8;
	[tilespmem:$0x1E000] =	vst v63  }
0x68: {  	_ =	swait.ge [sflag:s31], $0x2000  }
0x69: {  	[sflag:s31] =	ssyncset.done $0x0  }
0x6a: {  	s10 =	simm.s32 $0x4F80;
	[sflag:s31] =	ssyncadd.s32 $0xFFFFE000  }
0x6b: {  	[spmem:s3] =	stream.indirect.scatter.add.f32 [tilespmem:s28], [sflag:$0x3], $0x40, s10, s23, $0xb8;
	[tilespmem:$0x1E000] =	vst v63  }
0x6c: {  	_ =	swait.ge [sflag:s18], $0x2000  }
0x6d: {  	[sflag:s18] =	ssyncset.done $0x0  }
0x6e: {  	[sflag:s18] =	ssyncadd.s32 $0xFFFFE000  }
0x6f: {  	[spmem:s4] =	stream.indirect.scatter.add.f32 [tilespmem:s30], [sflag:$0x3], $0x10, s10, s23, $0xb8;
	[tilespmem:$0x1E000] =	vst v63  }
0x70: {  	_ =	swait.ge [sflag:s18], $0x800  }
0x71: {  	s6 =	simm.s32 $0x100;
	s7 =	simm.s32 $0x800;
	[sflag:s18] =	ssyncset.done $0x0  }
.LBB2_8:
0x72: {  	s8 =	sadd.s32 $0x80, s6  }
0x73: {  	[sflag:s18] =	ssyncadd.s32 $0xFFFFF800;
	s9 =	smov.u32 s7;
	s10 =	sadd.s32 $0x400, s7  }
0x74: {  	[tilespmem:s28], [sflag:$0x2] =	stream.indirect.gather [hbm4b:s1+s23], $0x40, s8, s23, $0xb8;
	[tilespmem:$0x1E000] =	vst v63  }
0x75: {  	p0 =	sne.s32 s7, $0x13400;
	_ =	swait.ge [sflag:s29], $0x2000  }
0x76: {  	[sflag:s29] =	ssyncset.done $0x0  }
0x77: {  	s7 =	sadd.s32 $0x4F00, s6;
	[sflag:s29] =	ssyncadd.s32 $0xFFFFE000  }
0x78: {  	[spmem:s3] =	stream.indirect.scatter.add.f32 [tilespmem:s26], [sflag:$0x3], $0x40, s7, s23, $0xb8;
	[tilespmem:$0x1E000] =	vst v63  }
0x79: {  	_ =	swait.ge [sflag:s18], $0x2000  }
0x7a: {  	[sflag:s18] =	ssyncset.done $0x0  }
0x7b: {  	[sflag:s18] =	ssyncadd.s32 $0xFFFFE000  }
0x7c: {  	[spmem:s4] =	stream.indirect.scatter.add.f32 [tilespmem:s30], [sflag:$0x3], $0x10, s7, s23, $0xb8;
	[tilespmem:$0x1E000] =	vst v63  }
0x7d: {  	_ =	swait.ge [sflag:s18], $0x800  }
0x7e: {  	[sflag:s18] =	ssyncset.done $0x0  }
0x7f: {  	s7 =	sadd.s32 $0x100, s6;
	[sflag:s18] =	ssyncadd.s32 $0xFFFFF800  }
0x80: {  	[tilespmem:s26], [sflag:$0x1] =	stream.indirect.gather [hbm4b:s1+s23], $0x40, s7, s23, $0xb8;
	[tilespmem:$0x1E000] =	vst v63  }
0x81: {  	_ =	swait.ge [sflag:s31], $0x2000  }
0x82: {  	[sflag:s31] =	ssyncset.done $0x0  }
0x83: {  	s6 =	sadd.s32 $0x4F80, s6;
	[sflag:s31] =	ssyncadd.s32 $0xFFFFE000  }
0x84: {  	[spmem:s3] =	stream.indirect.scatter.add.f32 [tilespmem:s28], [sflag:$0x3], $0x40, s6, s23, $0xb8;
	[tilespmem:$0x1E000] =	vst v63  }
0x85: {  	_ =	swait.ge [sflag:s18], $0x2000  }
.Ltmp3:
0x86: {  	[sflag:s18] =	ssyncset.done $0x0;
	(pc) =	sbr.rel @p0 .LBB2_8-.Ltmp3, $4  }
0x87: {  	[sflag:s18] =	ssyncadd.s32 $0xFFFFE000  }
0x88: {  	[spmem:s4] =	stream.indirect.scatter.add.f32 [tilespmem:s30], [sflag:$0x3], $0x10, s6, s23, $0xb8;
	[tilespmem:$0x1E000] =	vst v63  }
0x89: {  	_ =	swait.ge [sflag:s18], $0x800  }
0x8a: {  	s7 =	smov.u32 s10;
	s6 =	sshra.s32 s9, $0x2;
	[sflag:s18] =	ssyncset.done $0x0  }
0x8b: {  	s7 =	sadd.s32 $0x80, s6;
	[sflag:s18] =	ssyncadd.s32 $0xFFFFF800  }
0x8c: {  	[tilespmem:s28], [sflag:$0x2] =	stream.indirect.gather [hbm4b:s1+s23], $0x40, s7, s23, $0xb8;
	[tilespmem:$0x1E000] =	vst v63  }
0x8d: {  	_ =	swait.ge [sflag:s29], $0x2000  }
0x8e: {  	[sflag:s29] =	ssyncset.done $0x0  }
0x8f: {  	s9 =	sadd.s32 $0x4F00, s6;
	[sflag:s29] =	ssyncadd.s32 $0xFFFFE000  }
0x90: {  	[spmem:s3] =	stream.indirect.scatter.add.f32 [tilespmem:s26], [sflag:$0x3], $0x40, s9, s23, $0xb8;
	[tilespmem:$0x1E000] =	vst v63  }
0x91: {  	_ =	swait.ge [sflag:s18], $0x2000  }
0x92: {  	[sflag:s18] =	ssyncset.done $0x0  }
0x93: {  	[sflag:s18] =	ssyncadd.s32 $0xFFFFE000  }
0x94: {  	[spmem:s4] =	stream.indirect.scatter.add.f32 [tilespmem:s30], [sflag:$0x3], $0x10, s9, s23, $0xb8;
	[tilespmem:$0x1E000] =	vst v63  }
0x95: {  	_ =	swait.ge [sflag:s18], $0x800  }
0x96: {  	[sflag:s18] =	ssyncset.done $0x0  }
0x97: {  	s10 =	sadd.s32 $0x100, s6;
	[sflag:s18] =	ssyncadd.s32 $0xFFFFF800  }
0x98: {  	[tilespmem:s26], [sflag:$0x1] =	stream.indirect.gather [hbm4b:s1+s23], $0x40, s10, s23, $0xb8;
	[tilespmem:$0x1E000] =	vst v63  }
0x99: {  	_ =	swait.ge [sflag:s31], $0x2000  }
0x9a: {  	[sflag:s31] =	ssyncset.done $0x0  }
0x9b: {  	s8 =	sadd.s32 $0x4F80, s6;
	[sflag:s31] =	ssyncadd.s32 $0xFFFFE000  }
0x9c: {  	[spmem:s3] =	stream.indirect.scatter.add.f32 [tilespmem:s28], [sflag:$0x3], $0x40, s8, s23, $0xb8;
	[tilespmem:$0x1E000] =	vst v63  }
0x9d: {  	_ =	swait.ge [sflag:s18], $0x2000  }
0x9e: {  	[sflag:s18] =	ssyncset.done $0x0  }
0x9f: {  	[sflag:s18] =	ssyncadd.s32 $0xFFFFE000  }
0xa0: {  	[spmem:s4] =	stream.indirect.scatter.add.f32 [tilespmem:s30], [sflag:$0x3], $0x10, s8, s23, $0xb8;
	[tilespmem:$0x1E000] =	vst v63  }
0xa1: {  	_ =	swait.ge [sflag:s18], $0x800  }
0xa2: {  	[sflag:s18] =	ssyncset.done $0x0  }
0xa3: {  	[sflag:s18] =	ssyncadd.s32 $0xFFFFF800  }
0xa4: {  	[tilespmem:s28], [sflag:$0x2] =	stream.indirect.gather [hbm4b:s1+s23], $0x40, s2, s23, $0xb8;
	[tilespmem:$0x1E000] =	vst v63  }
0xa5: {  	_ =	swait.ge [sflag:s29], $0x2000  }
0xa6: {  	[sflag:s29] =	ssyncset.done $0x0  }
0xa7: {  	[sflag:s29] =	ssyncadd.s32 $0xFFFFE000  }
0xa8: {  	[spmem:s3] =	stream.indirect.scatter.add.f32 [tilespmem:s26], [sflag:$0x3], $0x40, s21, s23, $0xb8;
	[tilespmem:$0x1E000] =	vst v63  }
0xa9: {  	_ =	swait.ge [sflag:s18], $0x2000  }
0xaa: {  	[sflag:s18] =	ssyncset.done $0x0  }
0xab: {  	[sflag:s18] =	ssyncadd.s32 $0xFFFFE000  }
0xac: {  	[spmem:s4] =	stream.indirect.scatter.add.f32 [tilespmem:s30], [sflag:$0x3], $0x10, s21, s23, $0xb8;
	[tilespmem:$0x1E000] =	vst v63  }
0xad: {  	_ =	swait.ge [sflag:s18], $0x800  }
0xae: {  	[sflag:s18] =	ssyncset.done $0x0  }
0xaf: {  	[sflag:s18] =	ssyncadd.s32 $0xFFFFF800  }
0xb0: {  	[tilespmem:s26], [sflag:$0x1] =	stream.indirect.gather [hbm4b:s1+s23], $0x40, s2, s23, $0xb8;
	[tilespmem:$0x1E000] =	vst v63  }
0xb1: {  	_ =	swait.ge [sflag:s31], $0x2000  }
0xb2: {  	[sflag:s31] =	ssyncset.done $0x0  }
0xb3: {  	[sflag:s31] =	ssyncadd.s32 $0xFFFFE000  }
0xb4: {  	[spmem:s3] =	stream.indirect.scatter.add.f32 [tilespmem:s28], [sflag:$0x3], $0x40, s0, s23, $0xb8;
	[tilespmem:$0x1E000] =	vst v63  }
0xb5: {  	_ =	swait.ge [sflag:s18], $0x2000  }
0xb6: {  	[sflag:s18] =	ssyncset.done $0x0  }
0xb7: {  	[sflag:s18] =	ssyncadd.s32 $0xFFFFE000  }
0xb8: {  	[spmem:s4] =	stream.indirect.scatter.add.f32 [tilespmem:s30], [sflag:$0x3], $0x10, s0, s23, $0xb8;
	[tilespmem:$0x1E000] =	vst v63  }
0xb9: {  	_ =	swait.ge [sflag:s18], $0x800  }
0xba: {  	[sflag:s18] =	ssyncset.done $0x0  }
0xbb: {  	[sflag:s18] =	ssyncadd.s32 $0xFFFFF800  }
0xbc: {  	_ =	swait.ge [sflag:s29], $0x2000  }
0xbd: {  	s9 =	stileid.u32;
	[sflag:s29] =	ssyncset.done $0x0  }
0xbe: {  	s6 =	sshll.u32 s9, $0x6;
	[sflag:s29] =	ssyncadd.s32 $0xFFFFE000  }
0xbf: {  	s6 =	sor.u32 $0x1C03, s6;
	[bflag:$0x0] =	sbarrier.arrive $0xFFFF  }
0xc0: {  	[hbm:s20], [sflag:s6] =	dma.local [spmem:s24], $0x1400  }
0xc1: {  	_ =	swait.ge [sflag:s18], $0x1400  }
0xc2: {  	[sflag:s18] =	ssyncset.done $0x0  }
0xc3: {  	[sflag:s18] =	ssyncadd.s32 $0xFFFFEC00  }
0xc4: {  	[hbm:s22], [sflag:s6] =	dma.local [spmem:s25], $0x500  }
0xc5: {  	_ =	swait.ge [sflag:s18], $0x500  }
0xc6: {  	s5 =	sadd.s32 $0x1, s5;
	s10 =	rddreg [dreg:$0x7]  }
0xc7: {  	p0 =	sne.s32 s5, s10  }
.Ltmp4:
0xc8: {  	_ = 	snop;
	(pc) =	sbr.rel @p0 .LBB2_1-.Ltmp4, $3  }
0xc9: {  	_ =	sdelay $0x1  }
0xca: {  	[sflag:s18] =	ssyncset.done $0x0  }
0xcb: {  	[sflag:s18] =	ssyncadd.s32 $0xFFFFFB00  }
0xcc: {  	_ =	sfence.sel $0x180000  }
0xcd: {  	[bflag:$0x0] =	sbarrier.arrive $0xFFFF  }
0xce: {  	_ =	strace $0x90000047  }
0xcf: {  	s0 =	stileid.u32;
	[bflag:$0x2] =	sbarrier.arrive $0xFFFF  }
0xd0: {  	p0 =	sne.s32 s0, $0x0;
	s0 =	rddreg [dreg:$0x4]  }
0xd1: {  	s0 =	sadd.s32 @!p0 $0x100000, s0  }
0xd2: {  	[sflag:s0] =	ssyncadd.tile.s32 @!p0 $0x1;
	_ =	shalt  }
.Lfunc_end2:
_tile_overlayer_lowered:
.L_overlay_start_2:
0xd3: {  	(tag) =	ssettag $0x2  }
0xd4: {  	s0 =	rddreg [dreg:$0x0];
	s2 =	stileid.u32  }
0xd5: {  	s1 =	rddreg [dreg:$0x1];
	p0 =	sne.s32 s2, $0x0  }
0xd6: {  	s3 =	rddreg [dreg:$0x2];
	[bflag:$0x3] =	sbarrier.arrive $0xFFFF;
	s2 =	simm.s32 @!p0 $0x1C03  }
0xd7: {  	[timem:s3], [sflag:s2] =	dma.local @!p0 [hbm:s0], s1  }
0xd8: {  	s0 =	simm.s32 @!p0 $0x3  }
0xd9: {  	_ =	swait.ge @!p0 [sflag:s0], s1  }
0xda: {  	s1 =	ssub.s32 @!p0 $0x0, s1;
	[sflag:s0] =	ssyncset.done @!p0 $0x0  }
0xdb: {  	[sflag:s0] =	ssyncadd.s32 @!p0 s1  }
0xdc: {  	[bflag:$0x3] =	sbarrier.arrive $0xFFFF  }
0xdd: {  	_ =	shalt  }

</sc_bundles>
